<compile_context>
chip_gen: v7x
topology: tpu7x:2x2x1
jax: 0.10.2.dev20260603
libtpu: 0.0.44.dev20260713+nightly
codegen_flags: <defaults>
</compile_context>

<pallas_src>
import jax
import jax.numpy as jnp
from jax import lax
from jax.experimental import pallas as pl
from jax.experimental.pallas import tpu as pltpu
from jax.experimental.pallas import tpu_sc as plsc

N = 100000
D = 128
S = 512
NC = 2
NS = 16
NW = NC * NS
SEG_PER_W = S // NW
CH = 512
DV = D // 16

_NEG_INF = float("-inf")


def _seg_body(x_hbm, starts_hbm, wb_hbm, out_hbm, sbuf, wbuf, xbuf, gbuf, obuf):
    i32 = jnp.int32
    f32 = jnp.float32
    idx16 = lax.iota(i32, 16)
    wid = lax.axis_index("s") * NC + lax.axis_index("c")
    seg0 = wid * SEG_PER_W

    pltpu.sync_copy(starts_hbm.at[pl.ds(seg0, 32)], sbuf)
    pltpu.sync_copy(wb_hbm, wbuf)

    wv = [wbuf[pl.ds(16 * k, 16)] for k in range(DV)]
    b_s = jnp.sum(jnp.where(idx16 == 0, wbuf[pl.ds(D, 16)], 0.0))

    s_lo = sbuf[pl.ds(0, 16)]
    s_hi = sbuf[pl.ds(16, 16)]

    def isel(vec, k):
        return jnp.sum(jnp.where(idx16 == k, vec, 0))

    def gates_for_chunk(delta, v):
        @plsc.parallel_loop(delta, delta + v, unroll=8)
        def _row(o):
            acc = xbuf[pl.ds(o * D, 16)] * wv[0]
            for k in range(1, DV):
                acc = acc + xbuf[pl.ds(o * D + 16 * k, 16)] * wv[k]
            g = jnp.sum(acc) + b_s
            plsc.store_scatter(gbuf, [jnp.broadcast_to(o, (16,))],
                               jnp.broadcast_to(g, (16,)), mask=idx16 == 0)

    def chunk_geom(st, en, i):
        cs = st + i * CH
        dstart = jnp.minimum(cs, N - CH)
        delta = cs - dstart
        v = jnp.minimum(CH, en - cs)
        return dstart, delta, v

    def seg_body(k, _):
        st = isel(s_lo, k)
        en = isel(s_lo, k + 1) + isel(s_hi, k - 15)
        n = en - st
        nc = (n + CH - 1) // CH

        def p1(i, carry):
            m_run, s_run = carry
            dstart, delta, v = chunk_geom(st, en, i)
            pltpu.sync_copy(x_hbm.at[pl.ds(dstart * D, CH * D)], xbuf)
            gates_for_chunk(delta, v)
            jlo = delta // 16
            jhi = (delta + v + 15) // 16

            @plsc.parallel_loop(jlo, jhi, unroll=4,
                                carry=jnp.full((16,), _NEG_INF, f32))
            def mvec(j, mv):
                lane = 16 * j + idx16
                gv = gbuf[pl.ds(16 * j, 16)]
                gvm = jnp.where((lane >= delta) & (lane < delta + v), gv,
                                _NEG_INF)
                return jnp.maximum(mv, gvm)
            m_new = jnp.maximum(m_run, jnp.max(mvec))

            @plsc.parallel_loop(jlo, jhi, unroll=4,
                                carry=jnp.zeros((16,), f32))
            def svec(j, sv):
                lane = 16 * j + idx16
                gv = gbuf[pl.ds(16 * j, 16)]
                gvm = jnp.where((lane >= delta) & (lane < delta + v), gv,
                                _NEG_INF)
                return sv + jnp.exp(gvm - m_new)
            resc = jnp.exp(jnp.broadcast_to(m_run - m_new, (16,)))
            resc_s = jnp.sum(jnp.where(idx16 == 0, resc, 0.0))
            return m_new, s_run * resc_s + jnp.sum(svec)

        m_fin, s_fin = lax.fori_loop(
            0, nc, p1,
            (jnp.asarray(_NEG_INF, f32), jnp.asarray(0.0, f32)))
        inv_s = 1.0 / (jnp.broadcast_to(s_fin, (16,)) + 1e-16)

        def p2(i, acc):
            dstart, delta, v = chunk_geom(st, en, i)

            @pl.when(nc > 1)
            def _():
                pltpu.sync_copy(x_hbm.at[pl.ds(dstart * D, CH * D)], xbuf)
                gates_for_chunk(delta, v)

            jlo = delta // 16
            jhi = (delta + v + 15) // 16

            @plsc.parallel_loop(jlo, jhi, unroll=4)
            def _wstep(j):
                gv = gbuf[pl.ds(16 * j, 16)]
                gbuf[pl.ds(16 * j, 16)] = jnp.exp(gv - m_fin) * inv_s

            @plsc.parallel_loop(delta, delta + v, unroll=8, carry=acc)
            def row(o, acc):
                wbc = plsc.load_gather(gbuf, [jnp.broadcast_to(o, (16,))])
                return tuple(acc[kk] + xbuf[pl.ds(o * D + 16 * kk, 16)] * wbc
                             for kk in range(DV))
            return row

        acc0 = tuple(jnp.zeros((16,), f32) for _ in range(DV))
        acc = lax.fori_loop(0, nc, p2, acc0)
        for kk in range(DV):
            obuf[pl.ds(k * D + 16 * kk, 16)] = acc[kk]
        return 0

    lax.fori_loop(0, SEG_PER_W, seg_body, 0)
    pltpu.sync_copy(obuf, out_hbm.at[pl.ds(seg0 * D, SEG_PER_W * D)])


def kernel(x, batch, Wg, bg):
    batch = batch.astype(jnp.int32)
    starts = jnp.searchsorted(
        batch, jnp.arange(S + 1, dtype=jnp.int32)).astype(jnp.int32)
    starts = jnp.concatenate(
        [starts, jnp.full((31,), N, jnp.int32)])
    wb = jnp.concatenate(
        [Wg.reshape(D).astype(jnp.float32),
         bg.reshape(1).astype(jnp.float32),
         jnp.zeros((15,), jnp.float32)])
    xf = x.reshape(-1)

    mesh = plsc.VectorSubcoreMesh(core_axis_name="c", subcore_axis_name="s",
                                  num_cores=NC, num_subcores=NS)
    run = pl.kernel(
        _seg_body,
        out_type=jax.ShapeDtypeStruct((S * D,), jnp.float32),
        mesh=mesh,
        compiler_params=pltpu.CompilerParams(needs_layout_passes=False),
        scratch_types=[
            pltpu.VMEM((32,), jnp.int32),
            pltpu.VMEM((144,), jnp.float32),
            pltpu.VMEM((CH * D,), jnp.float32),
            pltpu.VMEM((CH,), jnp.float32),
            pltpu.VMEM((SEG_PER_W * D,), jnp.float32),
        ],
    )
    outf = run(xf, starts, wb)
    return outf.reshape(S, D)

# --- scband reference (transcript-rebuilt; emitter-appended) ---
"""Pipeline reference for scband-custom-global-attention-52286931862219 (READ-ONLY COPY).

The authoritative reference and input builder live on the scoring server;
editing this copy changes nothing except your own understanding.
"""

import jax, jax.numpy as jnp
import numpy as np

N = 100000
D = 128
NUM_SEGMENTS = 512


def setup_inputs(seed: int = 0) -> dict:
    key = jax.random.key(seed)
    k1, k2, k3, k4 = jax.random.split(key, 4)
    x = jax.random.normal(k1, (N, D), dtype=jnp.float32)
    batch = jnp.sort(jax.random.randint(k2, (N,), 0, NUM_SEGMENTS, dtype=jnp.int64))
    # gate_nn = nn.Linear(128, 1)
    Wg = jax.random.normal(k3, (D, 1), dtype=jnp.float32) * (1.0 / np.sqrt(D))
    bg = jax.random.normal(k4, (1,), dtype=jnp.float32) * 0.01
    return {"x": x, "batch": batch, "Wg": Wg, "bg": bg}


def reference(x, batch, Wg, bg):
    # gate = self.gate_nn(x)
    gate = x @ Wg + bg  # [N, 1]
    # gate = softmax(gate, index=batch)  (segment-wise softmax, numerically stable)
    m = jax.ops.segment_max(gate, batch, num_segments=NUM_SEGMENTS)  # [S, 1]
    m = jnp.where(jnp.isfinite(m), m, jnp.zeros_like(m))
    g = jnp.exp(gate - m[batch])
    s = jax.ops.segment_sum(g, batch, num_segments=NUM_SEGMENTS)
    gate = g / (s[batch] + 1e-16)
    # nn_module is None, so x unchanged
    # out = global_add_pool(x * gate, batch)
    out = jax.ops.segment_sum(x * gate, batch, num_segments=NUM_SEGMENTS)  # [S, D]
    return out

if __name__ == "__main__":
    import jax
    _d = setup_inputs()
    print(jax.jit(kernel)(*tuple(_d.values())))

</pallas_src>

<mosaic_0001>
#map = affine_map<(d0, d1) -> (0)>
module attributes {stable_mosaic.version = 14 : i64} {
  func.func @_seg_body(%arg0: i32, %arg1: i32, %arg2: memref<12800000xf32, #tpu.memory_space<hbm>>, %arg3: memref<544xi32, #tpu.memory_space<hbm>>, %arg4: memref<144xf32, #tpu.memory_space<hbm>>, %arg5: memref<65536xf32, #tpu.memory_space<hbm>>, %arg6: memref<32xi32, #tpu.memory_space<vmem>>, %arg7: memref<144xf32, #tpu.memory_space<vmem>>, %arg8: memref<65536xf32, #tpu.memory_space<vmem>>, %arg9: memref<512xf32, #tpu.memory_space<vmem>>, %arg10: memref<2048xf32, #tpu.memory_space<vmem>>) attributes {dimension_semantics = [#tpu.dimension_semantics<core_parallel>, #tpu.dimension_semantics<subcore_parallel>], iteration_bounds = array<i64: 2, 16>, scalar_prefetch = 0 : i64, scratch_operands = 5 : i64, tpu.core_type = #tpu.core_type<sc_vector_subcore>, window_params = [{transform_indices = #map}, {transform_indices = #map}, {transform_indices = #map}, {transform_indices = #map}]} {
    %iota3A = tpu.iota {dimensions = array<i32: 0>} : vector<16xi32>
    %mul3A = arith.constant 2 : i32
    %mul3A_0 = arith.muli %arg1, %mul3A : i32
    %add3A = arith.addi %mul3A_0, %arg0 : i32
    %mul3A_1 = arith.constant 16 : i32
    %mul3A_2 = arith.muli %add3A, %mul3A_1 : i32
    "tpu.region"() ({
      %run_scoped3A = tpu.sem_alloc : memref<!tpu.dma_semaphore, #tpu.memory_space<semaphore_mem>>
      %dma_start3A = tpu.memref_slice %arg3[%mul3A_2] : memref<544xi32, #tpu.memory_space<hbm>> -> memref<32xi32, #tpu.memory_space<hbm>>
      %dma_start3A_37 = tpu.memref_slice %arg3[%mul3A_2] : memref<544xi32, #tpu.memory_space<hbm>> -> memref<32xi32, #tpu.memory_space<hbm>>
      tpu.enqueue_dma source(%dma_start3A_37 : memref<32xi32, #tpu.memory_space<hbm>>) target(%arg6 : memref<32xi32, #tpu.memory_space<vmem>>) target_semaphore(%run_scoped3A : memref<!tpu.dma_semaphore, #tpu.memory_space<semaphore_mem>>)
      %dma_wait3A = tpu.memref_slice %arg3[%mul3A_2] : memref<544xi32, #tpu.memory_space<hbm>> -> memref<32xi32, #tpu.memory_space<hbm>>
      %dma_wait3A_38 = tpu.memref_slice %arg3[%mul3A_2] : memref<544xi32, #tpu.memory_space<hbm>> -> memref<32xi32, #tpu.memory_space<hbm>>
      tpu.wait_dma2 semaphore(%run_scoped3A : memref<!tpu.dma_semaphore, #tpu.memory_space<semaphore_mem>>) src(%dma_wait3A_38 : memref<32xi32, #tpu.memory_space<hbm>>) dst(%arg6 : memref<32xi32, #tpu.memory_space<vmem>>)
      tpu.yield
    }) : () -> ()
    "tpu.region"() ({
      %run_scoped3A = tpu.sem_alloc : memref<!tpu.dma_semaphore, #tpu.memory_space<semaphore_mem>>
      tpu.enqueue_dma source(%arg4 : memref<144xf32, #tpu.memory_space<hbm>>) target(%arg7 : memref<144xf32, #tpu.memory_space<vmem>>) target_semaphore(%run_scoped3A : memref<!tpu.dma_semaphore, #tpu.memory_space<semaphore_mem>>)
      tpu.wait_dma2 semaphore(%run_scoped3A : memref<!tpu.dma_semaphore, #tpu.memory_space<semaphore_mem>>) src(%arg4 : memref<144xf32, #tpu.memory_space<hbm>>) dst(%arg7 : memref<144xf32, #tpu.memory_space<vmem>>)
      tpu.yield
    }) : () -> ()
    %get3A = arith.constant 0 : index
    %get3A_3 = tpu.vector_load %arg7[%get3A] {strides = array<i32>} : memref<144xf32, #tpu.memory_space<vmem>>, vector<16xf32>,
    %get3A_4 = arith.constant 16 : index
    %get3A_5 = tpu.vector_load %arg7[%get3A_4] {strides = array<i32>} : memref<144xf32, #tpu.memory_space<vmem>>, vector<16xf32>,
    %get3A_6 = arith.constant 32 : index
    %get3A_7 = tpu.vector_load %arg7[%get3A_6] {strides = array<i32>} : memref<144xf32, #tpu.memory_space<vmem>>, vector<16xf32>,
    %get3A_8 = arith.constant 48 : index
    %get3A_9 = tpu.vector_load %arg7[%get3A_8] {strides = array<i32>} : memref<144xf32, #tpu.memory_space<vmem>>, vector<16xf32>,
    %get3A_10 = arith.constant 64 : index
    %get3A_11 = tpu.vector_load %arg7[%get3A_10] {strides = array<i32>} : memref<144xf32, #tpu.memory_space<vmem>>, vector<16xf32>,
    %get3A_12 = arith.constant 80 : index
    %get3A_13 = tpu.vector_load %arg7[%get3A_12] {strides = array<i32>} : memref<144xf32, #tpu.memory_space<vmem>>, vector<16xf32>,
    %get3A_14 = arith.constant 96 : index
    %get3A_15 = tpu.vector_load %arg7[%get3A_14] {strides = array<i32>} : memref<144xf32, #tpu.memory_space<vmem>>, vector<16xf32>,
    %get3A_16 = arith.constant 112 : index
    %get3A_17 = tpu.vector_load %arg7[%get3A_16] {strides = array<i32>} : memref<144xf32, #tpu.memory_space<vmem>>, vector<16xf32>,
    %eq3A = arith.constant 0 : i32
    %eq3A_18 = vector.broadcast %eq3A : i32 to vector<16xi32>
    %eq3A_19 = arith.cmpi eq, %iota3A, %eq3A_18 : vector<16xi32>
    %get3A_20 = arith.constant 128 : index
    %get3A_21 = tpu.vector_load %arg7[%get3A_20] {strides = array<i32>} : memref<144xf32, #tpu.memory_space<vmem>>, vector<16xf32>,
    %jit3A = arith.constant 0.000000e+00 : f32
    %broadcast_in_dim3A = vector.broadcast %jit3A : f32 to vector<16xf32>
    %select_n3A = arith.select %eq3A_19, %get3A_21, %broadcast_in_dim3A : vector<16xi1>, vector<16xf32>
    %reduce_sum3A = arith.constant true
    %reduce_sum3A_22 = vector.broadcast %reduce_sum3A : i1 to vector<16xi1>
    %reduce_sum3A_23 = tpu.scan <sum>, %select_n3A masked %reduce_sum3A_22 : vector<16xf32>, vector<16xi1> -> vector<16xf32>
    %reduce_sum3A_24 = vector.extract %reduce_sum3A_23[15] : f32 from vector<16xf32>
    %get3A_25 = arith.constant 0 : index
    %get3A_26 = tpu.vector_load %arg6[%get3A_25] {strides = array<i32>} : memref<32xi32, #tpu.memory_space<vmem>>, vector<16xi32>,
    %get3A_27 = arith.constant 16 : index
    %get3A_28 = tpu.vector_load %arg6[%get3A_27] {strides = array<i32>} : memref<32xi32, #tpu.memory_space<vmem>>, vector<16xi32>,
    %scan3A = arith.constant 0 : i32
    %scan3A_29 = arith.constant 0 : i32
    %scan3A_30 = arith.constant 16 : i32
    %scan3A_31 = arith.addi %scan3A_29, %scan3A_30 : i32
    %scan3A_32 = arith.constant 1 : i32
    %scan3A_33 = scf.for %scan3A_37 = %scan3A_29 to %scan3A_31 step %scan3A_32 iter_args(%scan3A_38 = %scan3A) -> (i32)  : i32 {
      %eq3A_39 = vector.broadcast %scan3A_37 : i32 to vector<16xi32>
      %eq3A_40 = arith.cmpi eq, %iota3A, %eq3A_39 : vector<16xi32>
      %jit3A_41 = arith.constant 0 : i32
      %broadcast_in_dim3A_42 = vector.broadcast %jit3A_41 : i32 to vector<16xi32>
      %select_n3A_43 = arith.select %eq3A_40, %get3A_26, %broadcast_in_dim3A_42 : vector<16xi1>, vector<16xi32>
      %reduce_sum3A_44 = arith.constant true
      %reduce_sum3A_45 = vector.broadcast %reduce_sum3A_44 : i1 to vector<16xi1>
      %reduce_sum3A_46 = tpu.scan <sum>, %select_n3A_43 masked %reduce_sum3A_45 : vector<16xi32>, vector<16xi1> -> vector<16xi32>
      %reduce_sum3A_47 = vector.extract %reduce_sum3A_46[15] : i32 from vector<16xi32>
      %add3A_48 = arith.constant 1 : i32
      %add3A_49 = arith.addi %scan3A_37, %add3A_48 : i32
      %eq3A_50 = vector.broadcast %add3A_49 : i32 to vector<16xi32>
      %eq3A_51 = arith.cmpi eq, %iota3A, %eq3A_50 : vector<16xi32>
      %jit3A_52 = arith.constant 0 : i32
      %broadcast_in_dim3A_53 = vector.broadcast %jit3A_52 : i32 to vector<16xi32>
      %select_n3A_54 = arith.select %eq3A_51, %get3A_26, %broadcast_in_dim3A_53 : vector<16xi1>, vector<16xi32>
      %reduce_sum3A_55 = arith.constant true
      %reduce_sum3A_56 = vector.broadcast %reduce_sum3A_55 : i1 to vector<16xi1>
      %reduce_sum3A_57 = tpu.scan <sum>, %select_n3A_54 masked %reduce_sum3A_56 : vector<16xi32>, vector<16xi1> -> vector<16xi32>
      %reduce_sum3A_58 = vector.extract %reduce_sum3A_57[15] : i32 from vector<16xi32>
      %sub3A = arith.constant 15 : i32
      %sub3A_59 = arith.subi %scan3A_37, %sub3A : i32
      %eq3A_60 = vector.broadcast %sub3A_59 : i32 to vector<16xi32>
      %eq3A_61 = arith.cmpi eq, %iota3A, %eq3A_60 : vector<16xi32>
      %jit3A_62 = arith.constant 0 : i32
      %broadcast_in_dim3A_63 = vector.broadcast %jit3A_62 : i32 to vector<16xi32>
      %select_n3A_64 = arith.select %eq3A_61, %get3A_28, %broadcast_in_dim3A_63 : vector<16xi1>, vector<16xi32>
      %reduce_sum3A_65 = arith.constant true
      %reduce_sum3A_66 = vector.broadcast %reduce_sum3A_65 : i1 to vector<16xi1>
      %reduce_sum3A_67 = tpu.scan <sum>, %select_n3A_64 masked %reduce_sum3A_66 : vector<16xi32>, vector<16xi1> -> vector<16xi32>
      %reduce_sum3A_68 = vector.extract %reduce_sum3A_67[15] : i32 from vector<16xi32>
      %add3A_69 = arith.addi %reduce_sum3A_58, %reduce_sum3A_68 : i32
      %sub3A_70 = arith.subi %add3A_69, %reduce_sum3A_47 : i32
      %add3A_71 = arith.constant 512 : i32
      %add3A_72 = arith.addi %sub3A_70, %add3A_71 : i32
      %sub3A_73 = arith.constant 1 : i32
      %sub3A_74 = arith.subi %add3A_72, %sub3A_73 : i32
      %jit3A_75 = arith.constant 512 : i32
      %div3A = arith.divsi %sub3A_74, %jit3A_75 : i32
      %sign3A = arith.constant 0 : i32
      %sign3A_76 = arith.cmpi sgt, %sub3A_74, %sign3A : i32
      %sign3A_77 = arith.extui %sign3A_76 : i1 to i32
      %sign3A_78 = arith.constant 0 : i32
      %sign3A_79 = arith.cmpi slt, %sub3A_74, %sign3A_78 : i32
      %sign3A_80 = arith.extui %sign3A_79 : i1 to i32
      %sign3A_81 = arith.subi %sign3A_77, %sign3A_80 : i32
      %sign3A_82 = arith.constant 0 : i32
      %sign3A_83 = arith.cmpi sgt, %jit3A_75, %sign3A_82 : i32
      %sign3A_84 = arith.extui %sign3A_83 : i1 to i32
      %sign3A_85 = arith.constant 0 : i32
      %sign3A_86 = arith.cmpi slt, %jit3A_75, %sign3A_85 : i32
      %sign3A_87 = arith.extui %sign3A_86 : i1 to i32
      %sign3A_88 = arith.subi %sign3A_84, %sign3A_87 : i32
      %ne3A = arith.cmpi ne, %sign3A_81, %sign3A_88 : i32
      %rem3A = arith.remsi %sub3A_74, %jit3A_75 : i32
      %ne3A_89 = arith.constant 0 : i32
      %ne3A_90 = arith.cmpi ne, %rem3A, %ne3A_89 : i32
      %and3A = arith.andi %ne3A, %ne3A_90 : i1
      %sub3A_91 = arith.constant 1 : i32
      %sub3A_92 = arith.subi %div3A, %sub3A_91 : i32
      %select_n3A_93 = arith.select %and3A, %sub3A_92, %div3A : i32
      %while3A = arith.constant 0 : i32
      %while3A_94 = arith.constant 0xFF800000 : f32
      %while3A_95 = arith.constant 0.000000e+00 : f32
      %while3A_96 = arith.subi %select_n3A_93, %while3A : i32
      %while3A_97 = arith.addi %while3A, %while3A_96 : i32
      %while3A_98 = arith.constant 1 : i32
      %while3A_99 = arith.divsi %while3A_96, %while3A_98 : i32
      %while3A_100 = arith.muli %while3A_99, %while3A_98 : i32
      %while3A_101 = arith.addi %while3A, %while3A_100 : i32
      %while3A_102 = arith.constant 1 : i32
      %while3A_103:2 = scf.for %while3A_188 = %while3A to %while3A_101 step %while3A_102 iter_args(%while3A_189 = %while3A_94, %while3A_190 = %while3A_95) -> (f32, f32)  : i32 {
        %mul3A_191 = arith.constant 512 : i32
        %mul3A_192 = arith.muli %while3A_188, %mul3A_191 : i32
        %add3A_193 = arith.addi %reduce_sum3A_47, %mul3A_192 : i32
        %min3A = arith.constant 99488 : i32
        %min3A_194 = arith.minsi %add3A_193, %min3A : i32
        %sub3A_195 = arith.subi %add3A_193, %min3A_194 : i32
        %sub3A_196 = arith.subi %add3A_69, %add3A_193 : i32
        %min3A_197 = arith.constant 512 : i32
        %min3A_198 = arith.minsi %min3A_197, %sub3A_196 : i32
        %mul3A_199 = arith.constant 128 : i32
        %mul3A_200 = arith.muli %min3A_194, %mul3A_199 : i32
        "tpu.region"() ({
          %run_scoped3A = tpu.sem_alloc : memref<!tpu.dma_semaphore, #tpu.memory_space<semaphore_mem>>
          %dma_start3A = tpu.memref_slice %arg2[%mul3A_200] : memref<12800000xf32, #tpu.memory_space<hbm>> -> memref<65536xf32, #tpu.memory_space<hbm>>
          %dma_start3A_282 = tpu.memref_slice %arg2[%mul3A_200] : memref<12800000xf32, #tpu.memory_space<hbm>> -> memref<65536xf32, #tpu.memory_space<hbm>>
          tpu.enqueue_dma source(%dma_start3A_282 : memref<65536xf32, #tpu.memory_space<hbm>>) target(%arg8 : memref<65536xf32, #tpu.memory_space<vmem>>) target_semaphore(%run_scoped3A : memref<!tpu.dma_semaphore, #tpu.memory_space<semaphore_mem>>)
          %dma_wait3A = tpu.memref_slice %arg2[%mul3A_200] : memref<12800000xf32, #tpu.memory_space<hbm>> -> memref<65536xf32, #tpu.memory_space<hbm>>
          %dma_wait3A_283 = tpu.memref_slice %arg2[%mul3A_200] : memref<12800000xf32, #tpu.memory_space<hbm>> -> memref<65536xf32, #tpu.memory_space<hbm>>
          tpu.wait_dma2 semaphore(%run_scoped3A : memref<!tpu.dma_semaphore, #tpu.memory_space<semaphore_mem>>) src(%dma_wait3A_283 : memref<65536xf32, #tpu.memory_space<hbm>>) dst(%arg8 : memref<65536xf32, #tpu.memory_space<vmem>>)
          tpu.yield
        }) : () -> ()
        %add3A_201 = arith.addi %sub3A_195, %min3A_198 : i32
        %parallel_loop3A = arith.constant 1 : i32
        scf.for %parallel_loop3A_282 = %sub3A_195 to %add3A_201 step %parallel_loop3A  : i32 {
          %parallel_loop3A_283 = arith.constant 128 : i32
          %parallel_loop3A_284 = arith.muli %parallel_loop3A_282, %parallel_loop3A_283 : i32
          %parallel_loop3A_285 = arith.index_cast %parallel_loop3A_284 : i32 to index
          %parallel_loop3A_286 = tpu.vector_load %arg8[%parallel_loop3A_285] {strides = array<i32>} : memref<65536xf32, #tpu.memory_space<vmem>>, vector<16xf32>,
          %parallel_loop3A_287 = arith.mulf %parallel_loop3A_286, %get3A_3 : vector<16xf32>
          %parallel_loop3A_288 = arith.constant 128 : i32
          %parallel_loop3A_289 = arith.muli %parallel_loop3A_282, %parallel_loop3A_288 : i32
          %parallel_loop3A_290 = arith.constant 16 : i32
          %parallel_loop3A_291 = arith.addi %parallel_loop3A_289, %parallel_loop3A_290 : i32
          %parallel_loop3A_292 = arith.index_cast %parallel_loop3A_291 : i32 to index
          %parallel_loop3A_293 = tpu.vector_load %arg8[%parallel_loop3A_292] {strides = array<i32>} : memref<65536xf32, #tpu.memory_space<vmem>>, vector<16xf32>,
          %parallel_loop3A_294 = arith.mulf %parallel_loop3A_293, %get3A_5 : vector<16xf32>
          %parallel_loop3A_295 = arith.addf %parallel_loop3A_287, %parallel_loop3A_294 : vector<16xf32>
          %parallel_loop3A_296 = arith.constant 128 : i32
          %parallel_loop3A_297 = arith.muli %parallel_loop3A_282, %parallel_loop3A_296 : i32
          %parallel_loop3A_298 = arith.constant 32 : i32
          %parallel_loop3A_299 = arith.addi %parallel_loop3A_297, %parallel_loop3A_298 : i32
          %parallel_loop3A_300 = arith.index_cast %parallel_loop3A_299 : i32 to index
          %parallel_loop3A_301 = tpu.vector_load %arg8[%parallel_loop3A_300] {strides = array<i32>} : memref<65536xf32, #tpu.memory_space<vmem>>, vector<16xf32>,
          %parallel_loop3A_302 = arith.mulf %parallel_loop3A_301, %get3A_7 : vector<16xf32>
          %parallel_loop3A_303 = arith.addf %parallel_loop3A_295, %parallel_loop3A_302 : vector<16xf32>
          %parallel_loop3A_304 = arith.constant 128 : i32
          %parallel_loop3A_305 = arith.muli %parallel_loop3A_282, %parallel_loop3A_304 : i32
          %parallel_loop3A_306 = arith.constant 48 : i32
          %parallel_loop3A_307 = arith.addi %parallel_loop3A_305, %parallel_loop3A_306 : i32
          %parallel_loop3A_308 = arith.index_cast %parallel_loop3A_307 : i32 to index
          %parallel_loop3A_309 = tpu.vector_load %arg8[%parallel_loop3A_308] {strides = array<i32>} : memref<65536xf32, #tpu.memory_space<vmem>>, vector<16xf32>,
          %parallel_loop3A_310 = arith.mulf %parallel_loop3A_309, %get3A_9 : vector<16xf32>
          %parallel_loop3A_311 = arith.addf %parallel_loop3A_303, %parallel_loop3A_310 : vector<16xf32>
          %parallel_loop3A_312 = arith.constant 128 : i32
          %parallel_loop3A_313 = arith.muli %parallel_loop3A_282, %parallel_loop3A_312 : i32
          %parallel_loop3A_314 = arith.constant 64 : i32
          %parallel_loop3A_315 = arith.addi %parallel_loop3A_313, %parallel_loop3A_314 : i32
          %parallel_loop3A_316 = arith.index_cast %parallel_loop3A_315 : i32 to index
          %parallel_loop3A_317 = tpu.vector_load %arg8[%parallel_loop3A_316] {strides = array<i32>} : memref<65536xf32, #tpu.memory_space<vmem>>, vector<16xf32>,
          %parallel_loop3A_318 = arith.mulf %parallel_loop3A_317, %get3A_11 : vector<16xf32>
          %parallel_loop3A_319 = arith.addf %parallel_loop3A_311, %parallel_loop3A_318 : vector<16xf32>
          %parallel_loop3A_320 = arith.constant 128 : i32
          %parallel_loop3A_321 = arith.muli %parallel_loop3A_282, %parallel_loop3A_320 : i32
          %parallel_loop3A_322 = arith.constant 80 : i32
          %parallel_loop3A_323 = arith.addi %parallel_loop3A_321, %parallel_loop3A_322 : i32
          %parallel_loop3A_324 = arith.index_cast %parallel_loop3A_323 : i32 to index
          %parallel_loop3A_325 = tpu.vector_load %arg8[%parallel_loop3A_324] {strides = array<i32>} : memref<65536xf32, #tpu.memory_space<vmem>>, vector<16xf32>,
          %parallel_loop3A_326 = arith.mulf %parallel_loop3A_325, %get3A_13 : vector<16xf32>
          %parallel_loop3A_327 = arith.addf %parallel_loop3A_319, %parallel_loop3A_326 : vector<16xf32>
          %parallel_loop3A_328 = arith.constant 128 : i32
          %parallel_loop3A_329 = arith.muli %parallel_loop3A_282, %parallel_loop3A_328 : i32
          %parallel_loop3A_330 = arith.constant 96 : i32
          %parallel_loop3A_331 = arith.addi %parallel_loop3A_329, %parallel_loop3A_330 : i32
          %parallel_loop3A_332 = arith.index_cast %parallel_loop3A_331 : i32 to index
          %parallel_loop3A_333 = tpu.vector_load %arg8[%parallel_loop3A_332] {strides = array<i32>} : memref<65536xf32, #tpu.memory_space<vmem>>, vector<16xf32>,
          %parallel_loop3A_334 = arith.mulf %parallel_loop3A_333, %get3A_15 : vector<16xf32>
          %parallel_loop3A_335 = arith.addf %parallel_loop3A_327, %parallel_loop3A_334 : vector<16xf32>
          %parallel_loop3A_336 = arith.constant 128 : i32
          %parallel_loop3A_337 = arith.muli %parallel_loop3A_282, %parallel_loop3A_336 : i32
          %parallel_loop3A_338 = arith.constant 112 : i32
          %parallel_loop3A_339 = arith.addi %parallel_loop3A_337, %parallel_loop3A_338 : i32
          %parallel_loop3A_340 = arith.index_cast %parallel_loop3A_339 : i32 to index
          %parallel_loop3A_341 = tpu.vector_load %arg8[%parallel_loop3A_340] {strides = array<i32>} : memref<65536xf32, #tpu.memory_space<vmem>>, vector<16xf32>,
          %parallel_loop3A_342 = arith.mulf %parallel_loop3A_341, %get3A_17 : vector<16xf32>
          %parallel_loop3A_343 = arith.addf %parallel_loop3A_335, %parallel_loop3A_342 : vector<16xf32>
          %parallel_loop3A_344 = arith.constant true
          %parallel_loop3A_345 = vector.broadcast %parallel_loop3A_344 : i1 to vector<16xi1>
          %parallel_loop3A_346 = tpu.scan <sum>, %parallel_loop3A_343 masked %parallel_loop3A_345 : vector<16xf32>, vector<16xi1> -> vector<16xf32>
          %parallel_loop3A_347 = vector.extract %parallel_loop3A_346[15] : f32 from vector<16xf32>
          %parallel_loop3A_348 = arith.addf %parallel_loop3A_347, %reduce_sum3A_24 : f32
          %parallel_loop3A_349 = vector.broadcast %parallel_loop3A_282 : i32 to vector<16xi32>
          %parallel_loop3A_350 = vector.broadcast %parallel_loop3A_348 : f32 to vector<16xf32>
          %parallel_loop3A_351 = arith.constant 0 : i32
          %parallel_loop3A_352 = vector.broadcast %parallel_loop3A_351 : i32 to vector<16xi32>
          %parallel_loop3A_353 = arith.cmpi eq, %iota3A, %parallel_loop3A_352 : vector<16xi32>
          tpu.vector_store_idx %arg9[%parallel_loop3A_349], %parallel_loop3A_350 masked %parallel_loop3A_353 : memref<512xf32, #tpu.memory_space<vmem>>[vector<16xi32>], vector<16xf32>, vector<16xi1>
        } {sc.loop_unroll_factor = 8 : i64, sc.parallel_access}
        %jit3A_202 = arith.constant 16 : i32
        %div3A_203 = arith.divsi %sub3A_195, %jit3A_202 : i32
        %sign3A_204 = arith.constant 0 : i32
        %sign3A_205 = arith.cmpi sgt, %sub3A_195, %sign3A_204 : i32
        %sign3A_206 = arith.extui %sign3A_205 : i1 to i32
        %sign3A_207 = arith.constant 0 : i32
        %sign3A_208 = arith.cmpi slt, %sub3A_195, %sign3A_207 : i32
        %sign3A_209 = arith.extui %sign3A_208 : i1 to i32
        %sign3A_210 = arith.subi %sign3A_206, %sign3A_209 : i32
        %sign3A_211 = arith.constant 0 : i32
        %sign3A_212 = arith.cmpi sgt, %jit3A_202, %sign3A_211 : i32
        %sign3A_213 = arith.extui %sign3A_212 : i1 to i32
        %sign3A_214 = arith.constant 0 : i32
        %sign3A_215 = arith.cmpi slt, %jit3A_202, %sign3A_214 : i32
        %sign3A_216 = arith.extui %sign3A_215 : i1 to i32
        %sign3A_217 = arith.subi %sign3A_213, %sign3A_216 : i32
        %ne3A_218 = arith.cmpi ne, %sign3A_210, %sign3A_217 : i32
        %rem3A_219 = arith.remsi %sub3A_195, %jit3A_202 : i32
        %ne3A_220 = arith.constant 0 : i32
        %ne3A_221 = arith.cmpi ne, %rem3A_219, %ne3A_220 : i32
        %and3A_222 = arith.andi %ne3A_218, %ne3A_221 : i1
        %sub3A_223 = arith.constant 1 : i32
        %sub3A_224 = arith.subi %div3A_203, %sub3A_223 : i32
        %select_n3A_225 = arith.select %and3A_222, %sub3A_224, %div3A_203 : i32
        %add3A_226 = arith.addi %sub3A_195, %min3A_198 : i32
        %add3A_227 = arith.constant 15 : i32
        %add3A_228 = arith.addi %add3A_226, %add3A_227 : i32
        %jit3A_229 = arith.constant 16 : i32
        %div3A_230 = arith.divsi %add3A_228, %jit3A_229 : i32
        %sign3A_231 = arith.constant 0 : i32
        %sign3A_232 = arith.cmpi sgt, %add3A_228, %sign3A_231 : i32
        %sign3A_233 = arith.extui %sign3A_232 : i1 to i32
        %sign3A_234 = arith.constant 0 : i32
        %sign3A_235 = arith.cmpi slt, %add3A_228, %sign3A_234 : i32
        %sign3A_236 = arith.extui %sign3A_235 : i1 to i32
        %sign3A_237 = arith.subi %sign3A_233, %sign3A_236 : i32
        %sign3A_238 = arith.constant 0 : i32
        %sign3A_239 = arith.cmpi sgt, %jit3A_229, %sign3A_238 : i32
        %sign3A_240 = arith.extui %sign3A_239 : i1 to i32
        %sign3A_241 = arith.constant 0 : i32
        %sign3A_242 = arith.cmpi slt, %jit3A_229, %sign3A_241 : i32
        %sign3A_243 = arith.extui %sign3A_242 : i1 to i32
        %sign3A_244 = arith.subi %sign3A_240, %sign3A_243 : i32
        %ne3A_245 = arith.cmpi ne, %sign3A_237, %sign3A_244 : i32
        %rem3A_246 = arith.remsi %add3A_228, %jit3A_229 : i32
        %ne3A_247 = arith.constant 0 : i32
        %ne3A_248 = arith.cmpi ne, %rem3A_246, %ne3A_247 : i32
        %and3A_249 = arith.andi %ne3A_245, %ne3A_248 : i1
        %sub3A_250 = arith.constant 1 : i32
        %sub3A_251 = arith.subi %div3A_230, %sub3A_250 : i32
        %select_n3A_252 = arith.select %and3A_249, %sub3A_251, %div3A_230 : i32
        %broadcast_in_dim3A_253 = arith.constant 0xFF800000 : f32
        %broadcast_in_dim3A_254 = vector.broadcast %broadcast_in_dim3A_253 : f32 to vector<16xf32>
        %parallel_loop3A_255 = arith.constant 1 : i32
        %parallel_loop3A_256 = scf.for %parallel_loop3A_282 = %select_n3A_225 to %select_n3A_252 step %parallel_loop3A_255 iter_args(%parallel_loop3A_283 = %broadcast_in_dim3A_254) -> (vector<16xf32>)  : i32 {
          %parallel_loop3A_284 = arith.constant 16 : i32
          %parallel_loop3A_285 = arith.muli %parallel_loop3A_284, %parallel_loop3A_282 : i32
          %parallel_loop3A_286 = vector.broadcast %parallel_loop3A_285 : i32 to vector<16xi32>
          %parallel_loop3A_287 = arith.addi %parallel_loop3A_286, %iota3A : vector<16xi32>
          %parallel_loop3A_288 = arith.constant 16 : i32
          %parallel_loop3A_289 = arith.muli %parallel_loop3A_288, %parallel_loop3A_282 : i32
          %parallel_loop3A_290 = arith.index_cast %parallel_loop3A_289 : i32 to index
          %parallel_loop3A_291 = tpu.vector_load %arg9[%parallel_loop3A_290] {strides = array<i32>} : memref<512xf32, #tpu.memory_space<vmem>>, vector<16xf32>,
          %parallel_loop3A_292 = vector.broadcast %sub3A_195 : i32 to vector<16xi32>
          %parallel_loop3A_293 = arith.cmpi sge, %parallel_loop3A_287, %parallel_loop3A_292 : vector<16xi32>
          %parallel_loop3A_294 = arith.addi %sub3A_195, %min3A_198 : i32
          %parallel_loop3A_295 = vector.broadcast %parallel_loop3A_294 : i32 to vector<16xi32>
          %parallel_loop3A_296 = arith.cmpi slt, %parallel_loop3A_287, %parallel_loop3A_295 : vector<16xi32>
          %parallel_loop3A_297 = arith.andi %parallel_loop3A_293, %parallel_loop3A_296 : vector<16xi1>
          %parallel_loop3A_298 = arith.constant 0xFF800000 : f32
          %parallel_loop3A_299 = vector.broadcast %parallel_loop3A_298 : f32 to vector<16xf32>
          %parallel_loop3A_300 = arith.select %parallel_loop3A_297, %parallel_loop3A_291, %parallel_loop3A_299 : vector<16xi1>, vector<16xf32>
          %parallel_loop3A_301 = arith.maximumf %parallel_loop3A_283, %parallel_loop3A_300 : vector<16xf32>
          scf.yield %parallel_loop3A_301 : vector<16xf32>
        } {sc.loop_unroll_factor = 4 : i64, sc.parallel_access}
        %reduce_max3A = arith.constant true
        %reduce_max3A_257 = vector.broadcast %reduce_max3A : i1 to vector<16xi1>
        %reduce_max3A_258 = tpu.scan <max>, %parallel_loop3A_256 masked %reduce_max3A_257 : vector<16xf32>, vector<16xi1> -> vector<16xf32>
        %reduce_max3A_259 = vector.extract %reduce_max3A_258[15] : f32 from vector<16xf32>
        %max3A = arith.maximumf %while3A_189, %reduce_max3A_259 : f32
        %broadcast_in_dim3A_260 = arith.constant 0.000000e+00 : f32
        %broadcast_in_dim3A_261 = vector.broadcast %broadcast_in_dim3A_260 : f32 to vector<16xf32>
        %parallel_loop3A_262 = arith.constant 1 : i32
        %parallel_loop3A_263 = scf.for %parallel_loop3A_282 = %select_n3A_225 to %select_n3A_252 step %parallel_loop3A_262 iter_args(%parallel_loop3A_283 = %broadcast_in_dim3A_261) -> (vector<16xf32>)  : i32 {
          %parallel_loop3A_284 = arith.constant 16 : i32
          %parallel_loop3A_285 = arith.muli %parallel_loop3A_284, %parallel_loop3A_282 : i32
          %parallel_loop3A_286 = vector.broadcast %parallel_loop3A_285 : i32 to vector<16xi32>
          %parallel_loop3A_287 = arith.addi %parallel_loop3A_286, %iota3A : vector<16xi32>
          %parallel_loop3A_288 = arith.constant 16 : i32
          %parallel_loop3A_289 = arith.muli %parallel_loop3A_288, %parallel_loop3A_282 : i32
          %parallel_loop3A_290 = arith.index_cast %parallel_loop3A_289 : i32 to index
          %parallel_loop3A_291 = tpu.vector_load %arg9[%parallel_loop3A_290] {strides = array<i32>} : memref<512xf32, #tpu.memory_space<vmem>>, vector<16xf32>,
          %parallel_loop3A_292 = vector.broadcast %sub3A_195 : i32 to vector<16xi32>
          %parallel_loop3A_293 = arith.cmpi sge, %parallel_loop3A_287, %parallel_loop3A_292 : vector<16xi32>
          %parallel_loop3A_294 = arith.addi %sub3A_195, %min3A_198 : i32
          %parallel_loop3A_295 = vector.broadcast %parallel_loop3A_294 : i32 to vector<16xi32>
          %parallel_loop3A_296 = arith.cmpi slt, %parallel_loop3A_287, %parallel_loop3A_295 : vector<16xi32>
          %parallel_loop3A_297 = arith.andi %parallel_loop3A_293, %parallel_loop3A_296 : vector<16xi1>
          %parallel_loop3A_298 = arith.constant 0xFF800000 : f32
          %parallel_loop3A_299 = vector.broadcast %parallel_loop3A_298 : f32 to vector<16xf32>
          %parallel_loop3A_300 = arith.select %parallel_loop3A_297, %parallel_loop3A_291, %parallel_loop3A_299 : vector<16xi1>, vector<16xf32>
          %parallel_loop3A_301 = vector.broadcast %max3A : f32 to vector<16xf32>
          %parallel_loop3A_302 = arith.subf %parallel_loop3A_300, %parallel_loop3A_301 : vector<16xf32>
          %parallel_loop3A_303 = math.exp %parallel_loop3A_302 : vector<16xf32>
          %parallel_loop3A_304 = arith.addf %parallel_loop3A_283, %parallel_loop3A_303 : vector<16xf32>
          scf.yield %parallel_loop3A_304 : vector<16xf32>
        } {sc.loop_unroll_factor = 4 : i64, sc.parallel_access}
        %sub3A_264 = arith.subf %while3A_189, %max3A : f32
        %broadcast_in_dim3A_265 = vector.broadcast %sub3A_264 : f32 to vector<16xf32>
        %exp3A = math.exp %broadcast_in_dim3A_265 : vector<16xf32>
        %eq3A_266 = arith.constant 0 : i32
        %eq3A_267 = vector.broadcast %eq3A_266 : i32 to vector<16xi32>
        %eq3A_268 = arith.cmpi eq, %iota3A, %eq3A_267 : vector<16xi32>
        %jit3A_269 = arith.constant 0.000000e+00 : f32
        %broadcast_in_dim3A_270 = vector.broadcast %jit3A_269 : f32 to vector<16xf32>
        %select_n3A_271 = arith.select %eq3A_268, %exp3A, %broadcast_in_dim3A_270 : vector<16xi1>, vector<16xf32>
        %reduce_sum3A_272 = arith.constant true
        %reduce_sum3A_273 = vector.broadcast %reduce_sum3A_272 : i1 to vector<16xi1>
        %reduce_sum3A_274 = tpu.scan <sum>, %select_n3A_271 masked %reduce_sum3A_273 : vector<16xf32>, vector<16xi1> -> vector<16xf32>
        %reduce_sum3A_275 = vector.extract %reduce_sum3A_274[15] : f32 from vector<16xf32>
        %mul3A_276 = arith.mulf %while3A_190, %reduce_sum3A_275 : f32
        %reduce_sum3A_277 = arith.constant true
        %reduce_sum3A_278 = vector.broadcast %reduce_sum3A_277 : i1 to vector<16xi1>
        %reduce_sum3A_279 = tpu.scan <sum>, %parallel_loop3A_263 masked %reduce_sum3A_278 : vector<16xf32>, vector<16xi1> -> vector<16xf32>
        %reduce_sum3A_280 = vector.extract %reduce_sum3A_279[15] : f32 from vector<16xf32>
        %add3A_281 = arith.addf %mul3A_276, %reduce_sum3A_280 : f32
        scf.yield %max3A, %add3A_281 : f32, f32
      }
      %while3A_104 = arith.constant 1 : i32
      %while3A_105:2 = scf.for %while3A_188 = %while3A_101 to %while3A_97 step %while3A_104 iter_args(%while3A_189 = %while3A_103#0, %while3A_190 = %while3A_103#1) -> (f32, f32)  : i32 {
        %mul3A_191 = arith.constant 512 : i32
        %mul3A_192 = arith.muli %while3A_188, %mul3A_191 : i32
        %add3A_193 = arith.addi %reduce_sum3A_47, %mul3A_192 : i32
        %min3A = arith.constant 99488 : i32
        %min3A_194 = arith.minsi %add3A_193, %min3A : i32
        %sub3A_195 = arith.subi %add3A_193, %min3A_194 : i32
        %sub3A_196 = arith.subi %add3A_69, %add3A_193 : i32
        %min3A_197 = arith.constant 512 : i32
        %min3A_198 = arith.minsi %min3A_197, %sub3A_196 : i32
        %mul3A_199 = arith.constant 128 : i32
        %mul3A_200 = arith.muli %min3A_194, %mul3A_199 : i32
        "tpu.region"() ({
          %run_scoped3A = tpu.sem_alloc : memref<!tpu.dma_semaphore, #tpu.memory_space<semaphore_mem>>
          %dma_start3A = tpu.memref_slice %arg2[%mul3A_200] : memref<12800000xf32, #tpu.memory_space<hbm>> -> memref<65536xf32, #tpu.memory_space<hbm>>
          %dma_start3A_282 = tpu.memref_slice %arg2[%mul3A_200] : memref<12800000xf32, #tpu.memory_space<hbm>> -> memref<65536xf32, #tpu.memory_space<hbm>>
          tpu.enqueue_dma source(%dma_start3A_282 : memref<65536xf32, #tpu.memory_space<hbm>>) target(%arg8 : memref<65536xf32, #tpu.memory_space<vmem>>) target_semaphore(%run_scoped3A : memref<!tpu.dma_semaphore, #tpu.memory_space<semaphore_mem>>)
          %dma_wait3A = tpu.memref_slice %arg2[%mul3A_200] : memref<12800000xf32, #tpu.memory_space<hbm>> -> memref<65536xf32, #tpu.memory_space<hbm>>
          %dma_wait3A_283 = tpu.memref_slice %arg2[%mul3A_200] : memref<12800000xf32, #tpu.memory_space<hbm>> -> memref<65536xf32, #tpu.memory_space<hbm>>
          tpu.wait_dma2 semaphore(%run_scoped3A : memref<!tpu.dma_semaphore, #tpu.memory_space<semaphore_mem>>) src(%dma_wait3A_283 : memref<65536xf32, #tpu.memory_space<hbm>>) dst(%arg8 : memref<65536xf32, #tpu.memory_space<vmem>>)
          tpu.yield
        }) : () -> ()
        %add3A_201 = arith.addi %sub3A_195, %min3A_198 : i32
        %parallel_loop3A = arith.constant 1 : i32
        scf.for %parallel_loop3A_282 = %sub3A_195 to %add3A_201 step %parallel_loop3A  : i32 {
          %parallel_loop3A_283 = arith.constant 128 : i32
          %parallel_loop3A_284 = arith.muli %parallel_loop3A_282, %parallel_loop3A_283 : i32
          %parallel_loop3A_285 = arith.index_cast %parallel_loop3A_284 : i32 to index
          %parallel_loop3A_286 = tpu.vector_load %arg8[%parallel_loop3A_285] {strides = array<i32>} : memref<65536xf32, #tpu.memory_space<vmem>>, vector<16xf32>,
          %parallel_loop3A_287 = arith.mulf %parallel_loop3A_286, %get3A_3 : vector<16xf32>
          %parallel_loop3A_288 = arith.constant 128 : i32
          %parallel_loop3A_289 = arith.muli %parallel_loop3A_282, %parallel_loop3A_288 : i32
          %parallel_loop3A_290 = arith.constant 16 : i32
          %parallel_loop3A_291 = arith.addi %parallel_loop3A_289, %parallel_loop3A_290 : i32
          %parallel_loop3A_292 = arith.index_cast %parallel_loop3A_291 : i32 to index
          %parallel_loop3A_293 = tpu.vector_load %arg8[%parallel_loop3A_292] {strides = array<i32>} : memref<65536xf32, #tpu.memory_space<vmem>>, vector<16xf32>,
          %parallel_loop3A_294 = arith.mulf %parallel_loop3A_293, %get3A_5 : vector<16xf32>
          %parallel_loop3A_295 = arith.addf %parallel_loop3A_287, %parallel_loop3A_294 : vector<16xf32>
          %parallel_loop3A_296 = arith.constant 128 : i32
          %parallel_loop3A_297 = arith.muli %parallel_loop3A_282, %parallel_loop3A_296 : i32
          %parallel_loop3A_298 = arith.constant 32 : i32
          %parallel_loop3A_299 = arith.addi %parallel_loop3A_297, %parallel_loop3A_298 : i32
          %parallel_loop3A_300 = arith.index_cast %parallel_loop3A_299 : i32 to index
          %parallel_loop3A_301 = tpu.vector_load %arg8[%parallel_loop3A_300] {strides = array<i32>} : memref<65536xf32, #tpu.memory_space<vmem>>, vector<16xf32>,
          %parallel_loop3A_302 = arith.mulf %parallel_loop3A_301, %get3A_7 : vector<16xf32>
          %parallel_loop3A_303 = arith.addf %parallel_loop3A_295, %parallel_loop3A_302 : vector<16xf32>
          %parallel_loop3A_304 = arith.constant 128 : i32
          %parallel_loop3A_305 = arith.muli %parallel_loop3A_282, %parallel_loop3A_304 : i32
          %parallel_loop3A_306 = arith.constant 48 : i32
          %parallel_loop3A_307 = arith.addi %parallel_loop3A_305, %parallel_loop3A_306 : i32
          %parallel_loop3A_308 = arith.index_cast %parallel_loop3A_307 : i32 to index
          %parallel_loop3A_309 = tpu.vector_load %arg8[%parallel_loop3A_308] {strides = array<i32>} : memref<65536xf32, #tpu.memory_space<vmem>>, vector<16xf32>,
          %parallel_loop3A_310 = arith.mulf %parallel_loop3A_309, %get3A_9 : vector<16xf32>
          %parallel_loop3A_311 = arith.addf %parallel_loop3A_303, %parallel_loop3A_310 : vector<16xf32>
          %parallel_loop3A_312 = arith.constant 128 : i32
          %parallel_loop3A_313 = arith.muli %parallel_loop3A_282, %parallel_loop3A_312 : i32
          %parallel_loop3A_314 = arith.constant 64 : i32
          %parallel_loop3A_315 = arith.addi %parallel_loop3A_313, %parallel_loop3A_314 : i32
          %parallel_loop3A_316 = arith.index_cast %parallel_loop3A_315 : i32 to index
          %parallel_loop3A_317 = tpu.vector_load %arg8[%parallel_loop3A_316] {strides = array<i32>} : memref<65536xf32, #tpu.memory_space<vmem>>, vector<16xf32>,
          %parallel_loop3A_318 = arith.mulf %parallel_loop3A_317, %get3A_11 : vector<16xf32>
          %parallel_loop3A_319 = arith.addf %parallel_loop3A_311, %parallel_loop3A_318 : vector<16xf32>
          %parallel_loop3A_320 = arith.constant 128 : i32
          %parallel_loop3A_321 = arith.muli %parallel_loop3A_282, %parallel_loop3A_320 : i32
          %parallel_loop3A_322 = arith.constant 80 : i32
          %parallel_loop3A_323 = arith.addi %parallel_loop3A_321, %parallel_loop3A_322 : i32
          %parallel_loop3A_324 = arith.index_cast %parallel_loop3A_323 : i32 to index
          %parallel_loop3A_325 = tpu.vector_load %arg8[%parallel_loop3A_324] {strides = array<i32>} : memref<65536xf32, #tpu.memory_space<vmem>>, vector<16xf32>,
          %parallel_loop3A_326 = arith.mulf %parallel_loop3A_325, %get3A_13 : vector<16xf32>
          %parallel_loop3A_327 = arith.addf %parallel_loop3A_319, %parallel_loop3A_326 : vector<16xf32>
          %parallel_loop3A_328 = arith.constant 128 : i32
          %parallel_loop3A_329 = arith.muli %parallel_loop3A_282, %parallel_loop3A_328 : i32
          %parallel_loop3A_330 = arith.constant 96 : i32
          %parallel_loop3A_331 = arith.addi %parallel_loop3A_329, %parallel_loop3A_330 : i32
          %parallel_loop3A_332 = arith.index_cast %parallel_loop3A_331 : i32 to index
          %parallel_loop3A_333 = tpu.vector_load %arg8[%parallel_loop3A_332] {strides = array<i32>} : memref<65536xf32, #tpu.memory_space<vmem>>, vector<16xf32>,
          %parallel_loop3A_334 = arith.mulf %parallel_loop3A_333, %get3A_15 : vector<16xf32>
          %parallel_loop3A_335 = arith.addf %parallel_loop3A_327, %parallel_loop3A_334 : vector<16xf32>
          %parallel_loop3A_336 = arith.constant 128 : i32
          %parallel_loop3A_337 = arith.muli %parallel_loop3A_282, %parallel_loop3A_336 : i32
          %parallel_loop3A_338 = arith.constant 112 : i32
          %parallel_loop3A_339 = arith.addi %parallel_loop3A_337, %parallel_loop3A_338 : i32
          %parallel_loop3A_340 = arith.index_cast %parallel_loop3A_339 : i32 to index
          %parallel_loop3A_341 = tpu.vector_load %arg8[%parallel_loop3A_340] {strides = array<i32>} : memref<65536xf32, #tpu.memory_space<vmem>>, vector<16xf32>,
          %parallel_loop3A_342 = arith.mulf %parallel_loop3A_341, %get3A_17 : vector<16xf32>
          %parallel_loop3A_343 = arith.addf %parallel_loop3A_335, %parallel_loop3A_342 : vector<16xf32>
          %parallel_loop3A_344 = arith.constant true
          %parallel_loop3A_345 = vector.broadcast %parallel_loop3A_344 : i1 to vector<16xi1>
          %parallel_loop3A_346 = tpu.scan <sum>, %parallel_loop3A_343 masked %parallel_loop3A_345 : vector<16xf32>, vector<16xi1> -> vector<16xf32>
          %parallel_loop3A_347 = vector.extract %parallel_loop3A_346[15] : f32 from vector<16xf32>
          %parallel_loop3A_348 = arith.addf %parallel_loop3A_347, %reduce_sum3A_24 : f32
          %parallel_loop3A_349 = vector.broadcast %parallel_loop3A_282 : i32 to vector<16xi32>
          %parallel_loop3A_350 = vector.broadcast %parallel_loop3A_348 : f32 to vector<16xf32>
          %parallel_loop3A_351 = arith.constant 0 : i32
          %parallel_loop3A_352 = vector.broadcast %parallel_loop3A_351 : i32 to vector<16xi32>
          %parallel_loop3A_353 = arith.cmpi eq, %iota3A, %parallel_loop3A_352 : vector<16xi32>
          tpu.vector_store_idx %arg9[%parallel_loop3A_349], %parallel_loop3A_350 masked %parallel_loop3A_353 : memref<512xf32, #tpu.memory_space<vmem>>[vector<16xi32>], vector<16xf32>, vector<16xi1>
        } {sc.loop_unroll_factor = 8 : i64, sc.parallel_access}
        %jit3A_202 = arith.constant 16 : i32
        %div3A_203 = arith.divsi %sub3A_195, %jit3A_202 : i32
        %sign3A_204 = arith.constant 0 : i32
        %sign3A_205 = arith.cmpi sgt, %sub3A_195, %sign3A_204 : i32
        %sign3A_206 = arith.extui %sign3A_205 : i1 to i32
        %sign3A_207 = arith.constant 0 : i32
        %sign3A_208 = arith.cmpi slt, %sub3A_195, %sign3A_207 : i32
        %sign3A_209 = arith.extui %sign3A_208 : i1 to i32
        %sign3A_210 = arith.subi %sign3A_206, %sign3A_209 : i32
        %sign3A_211 = arith.constant 0 : i32
        %sign3A_212 = arith.cmpi sgt, %jit3A_202, %sign3A_211 : i32
        %sign3A_213 = arith.extui %sign3A_212 : i1 to i32
        %sign3A_214 = arith.constant 0 : i32
        %sign3A_215 = arith.cmpi slt, %jit3A_202, %sign3A_214 : i32
        %sign3A_216 = arith.extui %sign3A_215 : i1 to i32
        %sign3A_217 = arith.subi %sign3A_213, %sign3A_216 : i32
        %ne3A_218 = arith.cmpi ne, %sign3A_210, %sign3A_217 : i32
        %rem3A_219 = arith.remsi %sub3A_195, %jit3A_202 : i32
        %ne3A_220 = arith.constant 0 : i32
        %ne3A_221 = arith.cmpi ne, %rem3A_219, %ne3A_220 : i32
        %and3A_222 = arith.andi %ne3A_218, %ne3A_221 : i1
        %sub3A_223 = arith.constant 1 : i32
        %sub3A_224 = arith.subi %div3A_203, %sub3A_223 : i32
        %select_n3A_225 = arith.select %and3A_222, %sub3A_224, %div3A_203 : i32
        %add3A_226 = arith.addi %sub3A_195, %min3A_198 : i32
        %add3A_227 = arith.constant 15 : i32
        %add3A_228 = arith.addi %add3A_226, %add3A_227 : i32
        %jit3A_229 = arith.constant 16 : i32
        %div3A_230 = arith.divsi %add3A_228, %jit3A_229 : i32
        %sign3A_231 = arith.constant 0 : i32
        %sign3A_232 = arith.cmpi sgt, %add3A_228, %sign3A_231 : i32
        %sign3A_233 = arith.extui %sign3A_232 : i1 to i32
        %sign3A_234 = arith.constant 0 : i32
        %sign3A_235 = arith.cmpi slt, %add3A_228, %sign3A_234 : i32
        %sign3A_236 = arith.extui %sign3A_235 : i1 to i32
        %sign3A_237 = arith.subi %sign3A_233, %sign3A_236 : i32
        %sign3A_238 = arith.constant 0 : i32
        %sign3A_239 = arith.cmpi sgt, %jit3A_229, %sign3A_238 : i32
        %sign3A_240 = arith.extui %sign3A_239 : i1 to i32
        %sign3A_241 = arith.constant 0 : i32
        %sign3A_242 = arith.cmpi slt, %jit3A_229, %sign3A_241 : i32
        %sign3A_243 = arith.extui %sign3A_242 : i1 to i32
        %sign3A_244 = arith.subi %sign3A_240, %sign3A_243 : i32
        %ne3A_245 = arith.cmpi ne, %sign3A_237, %sign3A_244 : i32
        %rem3A_246 = arith.remsi %add3A_228, %jit3A_229 : i32
        %ne3A_247 = arith.constant 0 : i32
        %ne3A_248 = arith.cmpi ne, %rem3A_246, %ne3A_247 : i32
        %and3A_249 = arith.andi %ne3A_245, %ne3A_248 : i1
        %sub3A_250 = arith.constant 1 : i32
        %sub3A_251 = arith.subi %div3A_230, %sub3A_250 : i32
        %select_n3A_252 = arith.select %and3A_249, %sub3A_251, %div3A_230 : i32
        %broadcast_in_dim3A_253 = arith.constant 0xFF800000 : f32
        %broadcast_in_dim3A_254 = vector.broadcast %broadcast_in_dim3A_253 : f32 to vector<16xf32>
        %parallel_loop3A_255 = arith.constant 1 : i32
        %parallel_loop3A_256 = scf.for %parallel_loop3A_282 = %select_n3A_225 to %select_n3A_252 step %parallel_loop3A_255 iter_args(%parallel_loop3A_283 = %broadcast_in_dim3A_254) -> (vector<16xf32>)  : i32 {
          %parallel_loop3A_284 = arith.constant 16 : i32
          %parallel_loop3A_285 = arith.muli %parallel_loop3A_284, %parallel_loop3A_282 : i32
          %parallel_loop3A_286 = vector.broadcast %parallel_loop3A_285 : i32 to vector<16xi32>
          %parallel_loop3A_287 = arith.addi %parallel_loop3A_286, %iota3A : vector<16xi32>
          %parallel_loop3A_288 = arith.constant 16 : i32
          %parallel_loop3A_289 = arith.muli %parallel_loop3A_288, %parallel_loop3A_282 : i32
          %parallel_loop3A_290 = arith.index_cast %parallel_loop3A_289 : i32 to index
          %parallel_loop3A_291 = tpu.vector_load %arg9[%parallel_loop3A_290] {strides = array<i32>} : memref<512xf32, #tpu.memory_space<vmem>>, vector<16xf32>,
          %parallel_loop3A_292 = vector.broadcast %sub3A_195 : i32 to vector<16xi32>
          %parallel_loop3A_293 = arith.cmpi sge, %parallel_loop3A_287, %parallel_loop3A_292 : vector<16xi32>
          %parallel_loop3A_294 = arith.addi %sub3A_195, %min3A_198 : i32
          %parallel_loop3A_295 = vector.broadcast %parallel_loop3A_294 : i32 to vector<16xi32>
          %parallel_loop3A_296 = arith.cmpi slt, %parallel_loop3A_287, %parallel_loop3A_295 : vector<16xi32>
          %parallel_loop3A_297 = arith.andi %parallel_loop3A_293, %parallel_loop3A_296 : vector<16xi1>
          %parallel_loop3A_298 = arith.constant 0xFF800000 : f32
          %parallel_loop3A_299 = vector.broadcast %parallel_loop3A_298 : f32 to vector<16xf32>
          %parallel_loop3A_300 = arith.select %parallel_loop3A_297, %parallel_loop3A_291, %parallel_loop3A_299 : vector<16xi1>, vector<16xf32>
          %parallel_loop3A_301 = arith.maximumf %parallel_loop3A_283, %parallel_loop3A_300 : vector<16xf32>
          scf.yield %parallel_loop3A_301 : vector<16xf32>
        } {sc.loop_unroll_factor = 4 : i64, sc.parallel_access}
        %reduce_max3A = arith.constant true
        %reduce_max3A_257 = vector.broadcast %reduce_max3A : i1 to vector<16xi1>
        %reduce_max3A_258 = tpu.scan <max>, %parallel_loop3A_256 masked %reduce_max3A_257 : vector<16xf32>, vector<16xi1> -> vector<16xf32>
        %reduce_max3A_259 = vector.extract %reduce_max3A_258[15] : f32 from vector<16xf32>
        %max3A = arith.maximumf %while3A_189, %reduce_max3A_259 : f32
        %broadcast_in_dim3A_260 = arith.constant 0.000000e+00 : f32
        %broadcast_in_dim3A_261 = vector.broadcast %broadcast_in_dim3A_260 : f32 to vector<16xf32>
        %parallel_loop3A_262 = arith.constant 1 : i32
        %parallel_loop3A_263 = scf.for %parallel_loop3A_282 = %select_n3A_225 to %select_n3A_252 step %parallel_loop3A_262 iter_args(%parallel_loop3A_283 = %broadcast_in_dim3A_261) -> (vector<16xf32>)  : i32 {
          %parallel_loop3A_284 = arith.constant 16 : i32
          %parallel_loop3A_285 = arith.muli %parallel_loop3A_284, %parallel_loop3A_282 : i32
          %parallel_loop3A_286 = vector.broadcast %parallel_loop3A_285 : i32 to vector<16xi32>
          %parallel_loop3A_287 = arith.addi %parallel_loop3A_286, %iota3A : vector<16xi32>
          %parallel_loop3A_288 = arith.constant 16 : i32
          %parallel_loop3A_289 = arith.muli %parallel_loop3A_288, %parallel_loop3A_282 : i32
          %parallel_loop3A_290 = arith.index_cast %parallel_loop3A_289 : i32 to index
          %parallel_loop3A_291 = tpu.vector_load %arg9[%parallel_loop3A_290] {strides = array<i32>} : memref<512xf32, #tpu.memory_space<vmem>>, vector<16xf32>,
          %parallel_loop3A_292 = vector.broadcast %sub3A_195 : i32 to vector<16xi32>
          %parallel_loop3A_293 = arith.cmpi sge, %parallel_loop3A_287, %parallel_loop3A_292 : vector<16xi32>
          %parallel_loop3A_294 = arith.addi %sub3A_195, %min3A_198 : i32
          %parallel_loop3A_295 = vector.broadcast %parallel_loop3A_294 : i32 to vector<16xi32>
          %parallel_loop3A_296 = arith.cmpi slt, %parallel_loop3A_287, %parallel_loop3A_295 : vector<16xi32>
          %parallel_loop3A_297 = arith.andi %parallel_loop3A_293, %parallel_loop3A_296 : vector<16xi1>
          %parallel_loop3A_298 = arith.constant 0xFF800000 : f32
          %parallel_loop3A_299 = vector.broadcast %parallel_loop3A_298 : f32 to vector<16xf32>
          %parallel_loop3A_300 = arith.select %parallel_loop3A_297, %parallel_loop3A_291, %parallel_loop3A_299 : vector<16xi1>, vector<16xf32>
          %parallel_loop3A_301 = vector.broadcast %max3A : f32 to vector<16xf32>
          %parallel_loop3A_302 = arith.subf %parallel_loop3A_300, %parallel_loop3A_301 : vector<16xf32>
          %parallel_loop3A_303 = math.exp %parallel_loop3A_302 : vector<16xf32>
          %parallel_loop3A_304 = arith.addf %parallel_loop3A_283, %parallel_loop3A_303 : vector<16xf32>
          scf.yield %parallel_loop3A_304 : vector<16xf32>
        } {sc.loop_unroll_factor = 4 : i64, sc.parallel_access}
        %sub3A_264 = arith.subf %while3A_189, %max3A : f32
        %broadcast_in_dim3A_265 = vector.broadcast %sub3A_264 : f32 to vector<16xf32>
        %exp3A = math.exp %broadcast_in_dim3A_265 : vector<16xf32>
        %eq3A_266 = arith.constant 0 : i32
        %eq3A_267 = vector.broadcast %eq3A_266 : i32 to vector<16xi32>
        %eq3A_268 = arith.cmpi eq, %iota3A, %eq3A_267 : vector<16xi32>
        %jit3A_269 = arith.constant 0.000000e+00 : f32
        %broadcast_in_dim3A_270 = vector.broadcast %jit3A_269 : f32 to vector<16xf32>
        %select_n3A_271 = arith.select %eq3A_268, %exp3A, %broadcast_in_dim3A_270 : vector<16xi1>, vector<16xf32>
        %reduce_sum3A_272 = arith.constant true
        %reduce_sum3A_273 = vector.broadcast %reduce_sum3A_272 : i1 to vector<16xi1>
        %reduce_sum3A_274 = tpu.scan <sum>, %select_n3A_271 masked %reduce_sum3A_273 : vector<16xf32>, vector<16xi1> -> vector<16xf32>
        %reduce_sum3A_275 = vector.extract %reduce_sum3A_274[15] : f32 from vector<16xf32>
        %mul3A_276 = arith.mulf %while3A_190, %reduce_sum3A_275 : f32
        %reduce_sum3A_277 = arith.constant true
        %reduce_sum3A_278 = vector.broadcast %reduce_sum3A_277 : i1 to vector<16xi1>
        %reduce_sum3A_279 = tpu.scan <sum>, %parallel_loop3A_263 masked %reduce_sum3A_278 : vector<16xf32>, vector<16xi1> -> vector<16xf32>
        %reduce_sum3A_280 = vector.extract %reduce_sum3A_279[15] : f32 from vector<16xf32>
        %add3A_281 = arith.addf %mul3A_276, %reduce_sum3A_280 : f32
        scf.yield %max3A, %add3A_281 : f32, f32
      }
      %broadcast_in_dim3A_106 = vector.broadcast %while3A_105#1 : f32 to vector<16xf32>
      %add3A_107 = arith.constant 1.000000e-16 : f32
      %add3A_108 = vector.broadcast %add3A_107 : f32 to vector<16xf32>
      %add3A_109 = arith.addf %broadcast_in_dim3A_106, %add3A_108 : vector<16xf32>
      %div3A_110 = arith.constant 1.000000e+00 : f32
      %div3A_111 = vector.broadcast %div3A_110 : f32 to vector<16xf32>
      %div3A_112 = arith.divf %div3A_111, %add3A_109 : vector<16xf32>
      %broadcast_in_dim3A_113 = arith.constant 0.000000e+00 : f32
      %broadcast_in_dim3A_114 = vector.broadcast %broadcast_in_dim3A_113 : f32 to vector<16xf32>
      %broadcast_in_dim3A_115 = arith.constant 0.000000e+00 : f32
      %broadcast_in_dim3A_116 = vector.broadcast %broadcast_in_dim3A_115 : f32 to vector<16xf32>
      %broadcast_in_dim3A_117 = arith.constant 0.000000e+00 : f32
      %broadcast_in_dim3A_118 = vector.broadcast %broadcast_in_dim3A_117 : f32 to vector<16xf32>
      %broadcast_in_dim3A_119 = arith.constant 0.000000e+00 : f32
      %broadcast_in_dim3A_120 = vector.broadcast %broadcast_in_dim3A_119 : f32 to vector<16xf32>
      %broadcast_in_dim3A_121 = arith.constant 0.000000e+00 : f32
      %broadcast_in_dim3A_122 = vector.broadcast %broadcast_in_dim3A_121 : f32 to vector<16xf32>
      %broadcast_in_dim3A_123 = arith.constant 0.000000e+00 : f32
      %broadcast_in_dim3A_124 = vector.broadcast %broadcast_in_dim3A_123 : f32 to vector<16xf32>
      %broadcast_in_dim3A_125 = arith.constant 0.000000e+00 : f32
      %broadcast_in_dim3A_126 = vector.broadcast %broadcast_in_dim3A_125 : f32 to vector<16xf32>
      %broadcast_in_dim3A_127 = arith.constant 0.000000e+00 : f32
      %broadcast_in_dim3A_128 = vector.broadcast %broadcast_in_dim3A_127 : f32 to vector<16xf32>
      %while3A_129 = arith.constant 0 : i32
      %while3A_130 = arith.subi %select_n3A_93, %while3A_129 : i32
      %while3A_131 = arith.addi %while3A_129, %while3A_130 : i32
      %while3A_132 = arith.constant 1 : i32
      %while3A_133 = arith.divsi %while3A_130, %while3A_132 : i32
      %while3A_134 = arith.muli %while3A_133, %while3A_132 : i32
      %while3A_135 = arith.addi %while3A_129, %while3A_134 : i32
      %while3A_136 = arith.constant 1 : i32
      %while3A_137:8 = scf.for %while3A_188 = %while3A_129 to %while3A_135 step %while3A_136 iter_args(%while3A_189 = %broadcast_in_dim3A_114, %while3A_190 = %broadcast_in_dim3A_116, %while3A_191 = %broadcast_in_dim3A_118, %while3A_192 = %broadcast_in_dim3A_120, %while3A_193 = %broadcast_in_dim3A_122, %while3A_194 = %broadcast_in_dim3A_124, %while3A_195 = %broadcast_in_dim3A_126, %while3A_196 = %broadcast_in_dim3A_128) -> (vector<16xf32>, vector<16xf32>, vector<16xf32>, vector<16xf32>, vector<16xf32>, vector<16xf32>, vector<16xf32>, vector<16xf32>)  : i32 {
        %mul3A_197 = arith.constant 512 : i32
        %mul3A_198 = arith.muli %while3A_188, %mul3A_197 : i32
        %add3A_199 = arith.addi %reduce_sum3A_47, %mul3A_198 : i32
        %min3A = arith.constant 99488 : i32
        %min3A_200 = arith.minsi %add3A_199, %min3A : i32
        %sub3A_201 = arith.subi %add3A_199, %min3A_200 : i32
        %sub3A_202 = arith.subi %add3A_69, %add3A_199 : i32
        %min3A_203 = arith.constant 512 : i32
        %min3A_204 = arith.minsi %min3A_203, %sub3A_202 : i32
        %gt3A = arith.constant 1 : i32
        %gt3A_205 = arith.cmpi sgt, %select_n3A_93, %gt3A : i32
        %convert_element_type3A = arith.extui %gt3A_205 : i1 to i32
        %cond3A = arith.constant 0 : i32
        %cond3A_206 = arith.cmpi ne, %convert_element_type3A, %cond3A : i32
        scf.if %cond3A_206 {
          %mul3A_261 = arith.constant 128 : i32
          %mul3A_262 = arith.muli %min3A_200, %mul3A_261 : i32
          "tpu.region"() ({
            %run_scoped3A = tpu.sem_alloc : memref<!tpu.dma_semaphore, #tpu.memory_space<semaphore_mem>>
            %dma_start3A = tpu.memref_slice %arg2[%mul3A_262] : memref<12800000xf32, #tpu.memory_space<hbm>> -> memref<65536xf32, #tpu.memory_space<hbm>>
            %dma_start3A_265 = tpu.memref_slice %arg2[%mul3A_262] : memref<12800000xf32, #tpu.memory_space<hbm>> -> memref<65536xf32, #tpu.memory_space<hbm>>
            tpu.enqueue_dma source(%dma_start3A_265 : memref<65536xf32, #tpu.memory_space<hbm>>) target(%arg8 : memref<65536xf32, #tpu.memory_space<vmem>>) target_semaphore(%run_scoped3A : memref<!tpu.dma_semaphore, #tpu.memory_space<semaphore_mem>>)
            %dma_wait3A = tpu.memref_slice %arg2[%mul3A_262] : memref<12800000xf32, #tpu.memory_space<hbm>> -> memref<65536xf32, #tpu.memory_space<hbm>>
            %dma_wait3A_266 = tpu.memref_slice %arg2[%mul3A_262] : memref<12800000xf32, #tpu.memory_space<hbm>> -> memref<65536xf32, #tpu.memory_space<hbm>>
            tpu.wait_dma2 semaphore(%run_scoped3A : memref<!tpu.dma_semaphore, #tpu.memory_space<semaphore_mem>>) src(%dma_wait3A_266 : memref<65536xf32, #tpu.memory_space<hbm>>) dst(%arg8 : memref<65536xf32, #tpu.memory_space<vmem>>)
            tpu.yield
          }) : () -> ()
          %add3A_263 = arith.addi %sub3A_201, %min3A_204 : i32
          %parallel_loop3A_264 = arith.constant 1 : i32
          scf.for %parallel_loop3A_265 = %sub3A_201 to %add3A_263 step %parallel_loop3A_264  : i32 {
            %parallel_loop3A_266 = arith.constant 128 : i32
            %parallel_loop3A_267 = arith.muli %parallel_loop3A_265, %parallel_loop3A_266 : i32
            %parallel_loop3A_268 = arith.index_cast %parallel_loop3A_267 : i32 to index
            %parallel_loop3A_269 = tpu.vector_load %arg8[%parallel_loop3A_268] {strides = array<i32>} : memref<65536xf32, #tpu.memory_space<vmem>>, vector<16xf32>,
            %parallel_loop3A_270 = arith.mulf %parallel_loop3A_269, %get3A_3 : vector<16xf32>
            %parallel_loop3A_271 = arith.constant 128 : i32
            %parallel_loop3A_272 = arith.muli %parallel_loop3A_265, %parallel_loop3A_271 : i32
            %parallel_loop3A_273 = arith.constant 16 : i32
            %parallel_loop3A_274 = arith.addi %parallel_loop3A_272, %parallel_loop3A_273 : i32
            %parallel_loop3A_275 = arith.index_cast %parallel_loop3A_274 : i32 to index
            %parallel_loop3A_276 = tpu.vector_load %arg8[%parallel_loop3A_275] {strides = array<i32>} : memref<65536xf32, #tpu.memory_space<vmem>>, vector<16xf32>,
            %parallel_loop3A_277 = arith.mulf %parallel_loop3A_276, %get3A_5 : vector<16xf32>
            %parallel_loop3A_278 = arith.addf %parallel_loop3A_270, %parallel_loop3A_277 : vector<16xf32>
            %parallel_loop3A_279 = arith.constant 128 : i32
            %parallel_loop3A_280 = arith.muli %parallel_loop3A_265, %parallel_loop3A_279 : i32
            %parallel_loop3A_281 = arith.constant 32 : i32
            %parallel_loop3A_282 = arith.addi %parallel_loop3A_280, %parallel_loop3A_281 : i32
            %parallel_loop3A_283 = arith.index_cast %parallel_loop3A_282 : i32 to index
            %parallel_loop3A_284 = tpu.vector_load %arg8[%parallel_loop3A_283] {strides = array<i32>} : memref<65536xf32, #tpu.memory_space<vmem>>, vector<16xf32>,
            %parallel_loop3A_285 = arith.mulf %parallel_loop3A_284, %get3A_7 : vector<16xf32>
            %parallel_loop3A_286 = arith.addf %parallel_loop3A_278, %parallel_loop3A_285 : vector<16xf32>
            %parallel_loop3A_287 = arith.constant 128 : i32
            %parallel_loop3A_288 = arith.muli %parallel_loop3A_265, %parallel_loop3A_287 : i32
            %parallel_loop3A_289 = arith.constant 48 : i32
            %parallel_loop3A_290 = arith.addi %parallel_loop3A_288, %parallel_loop3A_289 : i32
            %parallel_loop3A_291 = arith.index_cast %parallel_loop3A_290 : i32 to index
            %parallel_loop3A_292 = tpu.vector_load %arg8[%parallel_loop3A_291] {strides = array<i32>} : memref<65536xf32, #tpu.memory_space<vmem>>, vector<16xf32>,
            %parallel_loop3A_293 = arith.mulf %parallel_loop3A_292, %get3A_9 : vector<16xf32>
            %parallel_loop3A_294 = arith.addf %parallel_loop3A_286, %parallel_loop3A_293 : vector<16xf32>
            %parallel_loop3A_295 = arith.constant 128 : i32
            %parallel_loop3A_296 = arith.muli %parallel_loop3A_265, %parallel_loop3A_295 : i32
            %parallel_loop3A_297 = arith.constant 64 : i32
            %parallel_loop3A_298 = arith.addi %parallel_loop3A_296, %parallel_loop3A_297 : i32
            %parallel_loop3A_299 = arith.index_cast %parallel_loop3A_298 : i32 to index
            %parallel_loop3A_300 = tpu.vector_load %arg8[%parallel_loop3A_299] {strides = array<i32>} : memref<65536xf32, #tpu.memory_space<vmem>>, vector<16xf32>,
            %parallel_loop3A_301 = arith.mulf %parallel_loop3A_300, %get3A_11 : vector<16xf32>
            %parallel_loop3A_302 = arith.addf %parallel_loop3A_294, %parallel_loop3A_301 : vector<16xf32>
            %parallel_loop3A_303 = arith.constant 128 : i32
            %parallel_loop3A_304 = arith.muli %parallel_loop3A_265, %parallel_loop3A_303 : i32
            %parallel_loop3A_305 = arith.constant 80 : i32
            %parallel_loop3A_306 = arith.addi %parallel_loop3A_304, %parallel_loop3A_305 : i32
            %parallel_loop3A_307 = arith.index_cast %parallel_loop3A_306 : i32 to index
            %parallel_loop3A_308 = tpu.vector_load %arg8[%parallel_loop3A_307] {strides = array<i32>} : memref<65536xf32, #tpu.memory_space<vmem>>, vector<16xf32>,
            %parallel_loop3A_309 = arith.mulf %parallel_loop3A_308, %get3A_13 : vector<16xf32>
            %parallel_loop3A_310 = arith.addf %parallel_loop3A_302, %parallel_loop3A_309 : vector<16xf32>
            %parallel_loop3A_311 = arith.constant 128 : i32
            %parallel_loop3A_312 = arith.muli %parallel_loop3A_265, %parallel_loop3A_311 : i32
            %parallel_loop3A_313 = arith.constant 96 : i32
            %parallel_loop3A_314 = arith.addi %parallel_loop3A_312, %parallel_loop3A_313 : i32
            %parallel_loop3A_315 = arith.index_cast %parallel_loop3A_314 : i32 to index
            %parallel_loop3A_316 = tpu.vector_load %arg8[%parallel_loop3A_315] {strides = array<i32>} : memref<65536xf32, #tpu.memory_space<vmem>>, vector<16xf32>,
            %parallel_loop3A_317 = arith.mulf %parallel_loop3A_316, %get3A_15 : vector<16xf32>
            %parallel_loop3A_318 = arith.addf %parallel_loop3A_310, %parallel_loop3A_317 : vector<16xf32>
            %parallel_loop3A_319 = arith.constant 128 : i32
            %parallel_loop3A_320 = arith.muli %parallel_loop3A_265, %parallel_loop3A_319 : i32
            %parallel_loop3A_321 = arith.constant 112 : i32
            %parallel_loop3A_322 = arith.addi %parallel_loop3A_320, %parallel_loop3A_321 : i32
            %parallel_loop3A_323 = arith.index_cast %parallel_loop3A_322 : i32 to index
            %parallel_loop3A_324 = tpu.vector_load %arg8[%parallel_loop3A_323] {strides = array<i32>} : memref<65536xf32, #tpu.memory_space<vmem>>, vector<16xf32>,
            %parallel_loop3A_325 = arith.mulf %parallel_loop3A_324, %get3A_17 : vector<16xf32>
            %parallel_loop3A_326 = arith.addf %parallel_loop3A_318, %parallel_loop3A_325 : vector<16xf32>
            %parallel_loop3A_327 = arith.constant true
            %parallel_loop3A_328 = vector.broadcast %parallel_loop3A_327 : i1 to vector<16xi1>
            %parallel_loop3A_329 = tpu.scan <sum>, %parallel_loop3A_326 masked %parallel_loop3A_328 : vector<16xf32>, vector<16xi1> -> vector<16xf32>
            %parallel_loop3A_330 = vector.extract %parallel_loop3A_329[15] : f32 from vector<16xf32>
            %parallel_loop3A_331 = arith.addf %parallel_loop3A_330, %reduce_sum3A_24 : f32
            %parallel_loop3A_332 = vector.broadcast %parallel_loop3A_265 : i32 to vector<16xi32>
            %parallel_loop3A_333 = vector.broadcast %parallel_loop3A_331 : f32 to vector<16xf32>
            %parallel_loop3A_334 = arith.constant 0 : i32
            %parallel_loop3A_335 = vector.broadcast %parallel_loop3A_334 : i32 to vector<16xi32>
            %parallel_loop3A_336 = arith.cmpi eq, %iota3A, %parallel_loop3A_335 : vector<16xi32>
            tpu.vector_store_idx %arg9[%parallel_loop3A_332], %parallel_loop3A_333 masked %parallel_loop3A_336 : memref<512xf32, #tpu.memory_space<vmem>>[vector<16xi32>], vector<16xf32>, vector<16xi1>
          } {sc.loop_unroll_factor = 8 : i64, sc.parallel_access}
        } else {
        }
        %jit3A_207 = arith.constant 16 : i32
        %div3A_208 = arith.divsi %sub3A_201, %jit3A_207 : i32
        %sign3A_209 = arith.constant 0 : i32
        %sign3A_210 = arith.cmpi sgt, %sub3A_201, %sign3A_209 : i32
        %sign3A_211 = arith.extui %sign3A_210 : i1 to i32
        %sign3A_212 = arith.constant 0 : i32
        %sign3A_213 = arith.cmpi slt, %sub3A_201, %sign3A_212 : i32
        %sign3A_214 = arith.extui %sign3A_213 : i1 to i32
        %sign3A_215 = arith.subi %sign3A_211, %sign3A_214 : i32
        %sign3A_216 = arith.constant 0 : i32
        %sign3A_217 = arith.cmpi sgt, %jit3A_207, %sign3A_216 : i32
        %sign3A_218 = arith.extui %sign3A_217 : i1 to i32
        %sign3A_219 = arith.constant 0 : i32
        %sign3A_220 = arith.cmpi slt, %jit3A_207, %sign3A_219 : i32
        %sign3A_221 = arith.extui %sign3A_220 : i1 to i32
        %sign3A_222 = arith.subi %sign3A_218, %sign3A_221 : i32
        %ne3A_223 = arith.cmpi ne, %sign3A_215, %sign3A_222 : i32
        %rem3A_224 = arith.remsi %sub3A_201, %jit3A_207 : i32
        %ne3A_225 = arith.constant 0 : i32
        %ne3A_226 = arith.cmpi ne, %rem3A_224, %ne3A_225 : i32
        %and3A_227 = arith.andi %ne3A_223, %ne3A_226 : i1
        %sub3A_228 = arith.constant 1 : i32
        %sub3A_229 = arith.subi %div3A_208, %sub3A_228 : i32
        %select_n3A_230 = arith.select %and3A_227, %sub3A_229, %div3A_208 : i32
        %add3A_231 = arith.addi %sub3A_201, %min3A_204 : i32
        %add3A_232 = arith.constant 15 : i32
        %add3A_233 = arith.addi %add3A_231, %add3A_232 : i32
        %jit3A_234 = arith.constant 16 : i32
        %div3A_235 = arith.divsi %add3A_233, %jit3A_234 : i32
        %sign3A_236 = arith.constant 0 : i32
        %sign3A_237 = arith.cmpi sgt, %add3A_233, %sign3A_236 : i32
        %sign3A_238 = arith.extui %sign3A_237 : i1 to i32
        %sign3A_239 = arith.constant 0 : i32
        %sign3A_240 = arith.cmpi slt, %add3A_233, %sign3A_239 : i32
        %sign3A_241 = arith.extui %sign3A_240 : i1 to i32
        %sign3A_242 = arith.subi %sign3A_238, %sign3A_241 : i32
        %sign3A_243 = arith.constant 0 : i32
        %sign3A_244 = arith.cmpi sgt, %jit3A_234, %sign3A_243 : i32
        %sign3A_245 = arith.extui %sign3A_244 : i1 to i32
        %sign3A_246 = arith.constant 0 : i32
        %sign3A_247 = arith.cmpi slt, %jit3A_234, %sign3A_246 : i32
        %sign3A_248 = arith.extui %sign3A_247 : i1 to i32
        %sign3A_249 = arith.subi %sign3A_245, %sign3A_248 : i32
        %ne3A_250 = arith.cmpi ne, %sign3A_242, %sign3A_249 : i32
        %rem3A_251 = arith.remsi %add3A_233, %jit3A_234 : i32
        %ne3A_252 = arith.constant 0 : i32
        %ne3A_253 = arith.cmpi ne, %rem3A_251, %ne3A_252 : i32
        %and3A_254 = arith.andi %ne3A_250, %ne3A_253 : i1
        %sub3A_255 = arith.constant 1 : i32
        %sub3A_256 = arith.subi %div3A_235, %sub3A_255 : i32
        %select_n3A_257 = arith.select %and3A_254, %sub3A_256, %div3A_235 : i32
        %parallel_loop3A = arith.constant 1 : i32
        scf.for %parallel_loop3A_261 = %select_n3A_230 to %select_n3A_257 step %parallel_loop3A  : i32 {
          %parallel_loop3A_262 = arith.constant 16 : i32
          %parallel_loop3A_263 = arith.muli %parallel_loop3A_262, %parallel_loop3A_261 : i32
          %parallel_loop3A_264 = arith.index_cast %parallel_loop3A_263 : i32 to index
          %parallel_loop3A_265 = tpu.vector_load %arg9[%parallel_loop3A_264] {strides = array<i32>} : memref<512xf32, #tpu.memory_space<vmem>>, vector<16xf32>,
          %parallel_loop3A_266 = vector.broadcast %while3A_105#0 : f32 to vector<16xf32>
          %parallel_loop3A_267 = arith.subf %parallel_loop3A_265, %parallel_loop3A_266 : vector<16xf32>
          %parallel_loop3A_268 = math.exp %parallel_loop3A_267 : vector<16xf32>
          %parallel_loop3A_269 = arith.mulf %parallel_loop3A_268, %div3A_112 : vector<16xf32>
          %parallel_loop3A_270 = arith.constant 16 : i32
          %parallel_loop3A_271 = arith.muli %parallel_loop3A_270, %parallel_loop3A_261 : i32
          %parallel_loop3A_272 = arith.index_cast %parallel_loop3A_271 : i32 to index
          %parallel_loop3A_273 = tpu.vector_load %arg9[%parallel_loop3A_272] {strides = array<i32>} : memref<512xf32, #tpu.memory_space<vmem>>, vector<16xf32>,
          tpu.vector_store %arg9[%parallel_loop3A_272], %parallel_loop3A_269 {strides = array<i32>} : memref<512xf32, #tpu.memory_space<vmem>>, vector<16xf32>,
        } {sc.loop_unroll_factor = 4 : i64, sc.parallel_access}
        %add3A_258 = arith.addi %sub3A_201, %min3A_204 : i32
        %parallel_loop3A_259 = arith.constant 1 : i32
        %parallel_loop3A_260:8 = scf.for %parallel_loop3A_261 = %sub3A_201 to %add3A_258 step %parallel_loop3A_259 iter_args(%parallel_loop3A_262 = %while3A_189, %parallel_loop3A_263 = %while3A_190, %parallel_loop3A_264 = %while3A_191, %parallel_loop3A_265 = %while3A_192, %parallel_loop3A_266 = %while3A_193, %parallel_loop3A_267 = %while3A_194, %parallel_loop3A_268 = %while3A_195, %parallel_loop3A_269 = %while3A_196) -> (vector<16xf32>, vector<16xf32>, vector<16xf32>, vector<16xf32>, vector<16xf32>, vector<16xf32>, vector<16xf32>, vector<16xf32>)  : i32 {
          %parallel_loop3A_270 = vector.broadcast %parallel_loop3A_261 : i32 to vector<16xi32>
          %parallel_loop3A_271 = tpu.vector_load_idx %arg9[%parallel_loop3A_270] : memref<512xf32, #tpu.memory_space<vmem>>[vector<16xi32>], vector<16xf32>,
          %parallel_loop3A_272 = arith.constant 128 : i32
          %parallel_loop3A_273 = arith.muli %parallel_loop3A_261, %parallel_loop3A_272 : i32
          %parallel_loop3A_274 = arith.constant 0 : i32
          %parallel_loop3A_275 = arith.addi %parallel_loop3A_273, %parallel_loop3A_274 : i32
          %parallel_loop3A_276 = arith.index_cast %parallel_loop3A_275 : i32 to index
          %parallel_loop3A_277 = tpu.vector_load %arg8[%parallel_loop3A_276] {strides = array<i32>} : memref<65536xf32, #tpu.memory_space<vmem>>, vector<16xf32>,
          %parallel_loop3A_278 = arith.mulf %parallel_loop3A_277, %parallel_loop3A_271 : vector<16xf32>
          %parallel_loop3A_279 = arith.addf %parallel_loop3A_262, %parallel_loop3A_278 : vector<16xf32>
          %parallel_loop3A_280 = arith.constant 128 : i32
          %parallel_loop3A_281 = arith.muli %parallel_loop3A_261, %parallel_loop3A_280 : i32
          %parallel_loop3A_282 = arith.constant 16 : i32
          %parallel_loop3A_283 = arith.addi %parallel_loop3A_281, %parallel_loop3A_282 : i32
          %parallel_loop3A_284 = arith.index_cast %parallel_loop3A_283 : i32 to index
          %parallel_loop3A_285 = tpu.vector_load %arg8[%parallel_loop3A_284] {strides = array<i32>} : memref<65536xf32, #tpu.memory_space<vmem>>, vector<16xf32>,
          %parallel_loop3A_286 = arith.mulf %parallel_loop3A_285, %parallel_loop3A_271 : vector<16xf32>
          %parallel_loop3A_287 = arith.addf %parallel_loop3A_263, %parallel_loop3A_286 : vector<16xf32>
          %parallel_loop3A_288 = arith.constant 128 : i32
          %parallel_loop3A_289 = arith.muli %parallel_loop3A_261, %parallel_loop3A_288 : i32
          %parallel_loop3A_290 = arith.constant 32 : i32
          %parallel_loop3A_291 = arith.addi %parallel_loop3A_289, %parallel_loop3A_290 : i32
          %parallel_loop3A_292 = arith.index_cast %parallel_loop3A_291 : i32 to index
          %parallel_loop3A_293 = tpu.vector_load %arg8[%parallel_loop3A_292] {strides = array<i32>} : memref<65536xf32, #tpu.memory_space<vmem>>, vector<16xf32>,
          %parallel_loop3A_294 = arith.mulf %parallel_loop3A_293, %parallel_loop3A_271 : vector<16xf32>
          %parallel_loop3A_295 = arith.addf %parallel_loop3A_264, %parallel_loop3A_294 : vector<16xf32>
          %parallel_loop3A_296 = arith.constant 128 : i32
          %parallel_loop3A_297 = arith.muli %parallel_loop3A_261, %parallel_loop3A_296 : i32
          %parallel_loop3A_298 = arith.constant 48 : i32
          %parallel_loop3A_299 = arith.addi %parallel_loop3A_297, %parallel_loop3A_298 : i32
          %parallel_loop3A_300 = arith.index_cast %parallel_loop3A_299 : i32 to index
          %parallel_loop3A_301 = tpu.vector_load %arg8[%parallel_loop3A_300] {strides = array<i32>} : memref<65536xf32, #tpu.memory_space<vmem>>, vector<16xf32>,
          %parallel_loop3A_302 = arith.mulf %parallel_loop3A_301, %parallel_loop3A_271 : vector<16xf32>
          %parallel_loop3A_303 = arith.addf %parallel_loop3A_265, %parallel_loop3A_302 : vector<16xf32>
          %parallel_loop3A_304 = arith.constant 128 : i32
          %parallel_loop3A_305 = arith.muli %parallel_loop3A_261, %parallel_loop3A_304 : i32
          %parallel_loop3A_306 = arith.constant 64 : i32
          %parallel_loop3A_307 = arith.addi %parallel_loop3A_305, %parallel_loop3A_306 : i32
          %parallel_loop3A_308 = arith.index_cast %parallel_loop3A_307 : i32 to index
          %parallel_loop3A_309 = tpu.vector_load %arg8[%parallel_loop3A_308] {strides = array<i32>} : memref<65536xf32, #tpu.memory_space<vmem>>, vector<16xf32>,
          %parallel_loop3A_310 = arith.mulf %parallel_loop3A_309, %parallel_loop3A_271 : vector<16xf32>
          %parallel_loop3A_311 = arith.addf %parallel_loop3A_266, %parallel_loop3A_310 : vector<16xf32>
          %parallel_loop3A_312 = arith.constant 128 : i32
          %parallel_loop3A_313 = arith.muli %parallel_loop3A_261, %parallel_loop3A_312 : i32
          %parallel_loop3A_314 = arith.constant 80 : i32
          %parallel_loop3A_315 = arith.addi %parallel_loop3A_313, %parallel_loop3A_314 : i32
          %parallel_loop3A_316 = arith.index_cast %parallel_loop3A_315 : i32 to index
          %parallel_loop3A_317 = tpu.vector_load %arg8[%parallel_loop3A_316] {strides = array<i32>} : memref<65536xf32, #tpu.memory_space<vmem>>, vector<16xf32>,
          %parallel_loop3A_318 = arith.mulf %parallel_loop3A_317, %parallel_loop3A_271 : vector<16xf32>
          %parallel_loop3A_319 = arith.addf %parallel_loop3A_267, %parallel_loop3A_318 : vector<16xf32>
          %parallel_loop3A_320 = arith.constant 128 : i32
          %parallel_loop3A_321 = arith.muli %parallel_loop3A_261, %parallel_loop3A_320 : i32
          %parallel_loop3A_322 = arith.constant 96 : i32
          %parallel_loop3A_323 = arith.addi %parallel_loop3A_321, %parallel_loop3A_322 : i32
          %parallel_loop3A_324 = arith.index_cast %parallel_loop3A_323 : i32 to index
          %parallel_loop3A_325 = tpu.vector_load %arg8[%parallel_loop3A_324] {strides = array<i32>} : memref<65536xf32, #tpu.memory_space<vmem>>, vector<16xf32>,
          %parallel_loop3A_326 = arith.mulf %parallel_loop3A_325, %parallel_loop3A_271 : vector<16xf32>
          %parallel_loop3A_327 = arith.addf %parallel_loop3A_268, %parallel_loop3A_326 : vector<16xf32>
          %parallel_loop3A_328 = arith.constant 128 : i32
          %parallel_loop3A_329 = arith.muli %parallel_loop3A_261, %parallel_loop3A_328 : i32
          %parallel_loop3A_330 = arith.constant 112 : i32
          %parallel_loop3A_331 = arith.addi %parallel_loop3A_329, %parallel_loop3A_330 : i32
          %parallel_loop3A_332 = arith.index_cast %parallel_loop3A_331 : i32 to index
          %parallel_loop3A_333 = tpu.vector_load %arg8[%parallel_loop3A_332] {strides = array<i32>} : memref<65536xf32, #tpu.memory_space<vmem>>, vector<16xf32>,
          %parallel_loop3A_334 = arith.mulf %parallel_loop3A_333, %parallel_loop3A_271 : vector<16xf32>
          %parallel_loop3A_335 = arith.addf %parallel_loop3A_269, %parallel_loop3A_334 : vector<16xf32>
          scf.yield %parallel_loop3A_279, %parallel_loop3A_287, %parallel_loop3A_295, %parallel_loop3A_303, %parallel_loop3A_311, %parallel_loop3A_319, %parallel_loop3A_327, %parallel_loop3A_335 : vector<16xf32>, vector<16xf32>, vector<16xf32>, vector<16xf32>, vector<16xf32>, vector<16xf32>, vector<16xf32>, vector<16xf32>
        } {sc.loop_unroll_factor = 8 : i64, sc.parallel_access}
        scf.yield %parallel_loop3A_260#0, %parallel_loop3A_260#1, %parallel_loop3A_260#2, %parallel_loop3A_260#3, %parallel_loop3A_260#4, %parallel_loop3A_260#5, %parallel_loop3A_260#6, %parallel_loop3A_260#7 : vector<16xf32>, vector<16xf32>, vector<16xf32>, vector<16xf32>, vector<16xf32>, vector<16xf32>, vector<16xf32>, vector<16xf32>
      }
      %while3A_138 = arith.constant 1 : i32
      %while3A_139:8 = scf.for %while3A_188 = %while3A_135 to %while3A_131 step %while3A_138 iter_args(%while3A_189 = %while3A_137#0, %while3A_190 = %while3A_137#1, %while3A_191 = %while3A_137#2, %while3A_192 = %while3A_137#3, %while3A_193 = %while3A_137#4, %while3A_194 = %while3A_137#5, %while3A_195 = %while3A_137#6, %while3A_196 = %while3A_137#7) -> (vector<16xf32>, vector<16xf32>, vector<16xf32>, vector<16xf32>, vector<16xf32>, vector<16xf32>, vector<16xf32>, vector<16xf32>)  : i32 {
        %mul3A_197 = arith.constant 512 : i32
        %mul3A_198 = arith.muli %while3A_188, %mul3A_197 : i32
        %add3A_199 = arith.addi %reduce_sum3A_47, %mul3A_198 : i32
        %min3A = arith.constant 99488 : i32
        %min3A_200 = arith.minsi %add3A_199, %min3A : i32
        %sub3A_201 = arith.subi %add3A_199, %min3A_200 : i32
        %sub3A_202 = arith.subi %add3A_69, %add3A_199 : i32
        %min3A_203 = arith.constant 512 : i32
        %min3A_204 = arith.minsi %min3A_203, %sub3A_202 : i32
        %gt3A = arith.constant 1 : i32
        %gt3A_205 = arith.cmpi sgt, %select_n3A_93, %gt3A : i32
        %convert_element_type3A = arith.extui %gt3A_205 : i1 to i32
        %cond3A = arith.constant 0 : i32
        %cond3A_206 = arith.cmpi ne, %convert_element_type3A, %cond3A : i32
        scf.if %cond3A_206 {
          %mul3A_261 = arith.constant 128 : i32
          %mul3A_262 = arith.muli %min3A_200, %mul3A_261 : i32
          "tpu.region"() ({
            %run_scoped3A = tpu.sem_alloc : memref<!tpu.dma_semaphore, #tpu.memory_space<semaphore_mem>>
            %dma_start3A = tpu.memref_slice %arg2[%mul3A_262] : memref<12800000xf32, #tpu.memory_space<hbm>> -> memref<65536xf32, #tpu.memory_space<hbm>>
            %dma_start3A_265 = tpu.memref_slice %arg2[%mul3A_262] : memref<12800000xf32, #tpu.memory_space<hbm>> -> memref<65536xf32, #tpu.memory_space<hbm>>
            tpu.enqueue_dma source(%dma_start3A_265 : memref<65536xf32, #tpu.memory_space<hbm>>) target(%arg8 : memref<65536xf32, #tpu.memory_space<vmem>>) target_semaphore(%run_scoped3A : memref<!tpu.dma_semaphore, #tpu.memory_space<semaphore_mem>>)
            %dma_wait3A = tpu.memref_slice %arg2[%mul3A_262] : memref<12800000xf32, #tpu.memory_space<hbm>> -> memref<65536xf32, #tpu.memory_space<hbm>>
            %dma_wait3A_266 = tpu.memref_slice %arg2[%mul3A_262] : memref<12800000xf32, #tpu.memory_space<hbm>> -> memref<65536xf32, #tpu.memory_space<hbm>>
            tpu.wait_dma2 semaphore(%run_scoped3A : memref<!tpu.dma_semaphore, #tpu.memory_space<semaphore_mem>>) src(%dma_wait3A_266 : memref<65536xf32, #tpu.memory_space<hbm>>) dst(%arg8 : memref<65536xf32, #tpu.memory_space<vmem>>)
            tpu.yield
          }) : () -> ()
          %add3A_263 = arith.addi %sub3A_201, %min3A_204 : i32
          %parallel_loop3A_264 = arith.constant 1 : i32
          scf.for %parallel_loop3A_265 = %sub3A_201 to %add3A_263 step %parallel_loop3A_264  : i32 {
            %parallel_loop3A_266 = arith.constant 128 : i32
            %parallel_loop3A_267 = arith.muli %parallel_loop3A_265, %parallel_loop3A_266 : i32
            %parallel_loop3A_268 = arith.index_cast %parallel_loop3A_267 : i32 to index
            %parallel_loop3A_269 = tpu.vector_load %arg8[%parallel_loop3A_268] {strides = array<i32>} : memref<65536xf32, #tpu.memory_space<vmem>>, vector<16xf32>,
            %parallel_loop3A_270 = arith.mulf %parallel_loop3A_269, %get3A_3 : vector<16xf32>
            %parallel_loop3A_271 = arith.constant 128 : i32
            %parallel_loop3A_272 = arith.muli %parallel_loop3A_265, %parallel_loop3A_271 : i32
            %parallel_loop3A_273 = arith.constant 16 : i32
            %parallel_loop3A_274 = arith.addi %parallel_loop3A_272, %parallel_loop3A_273 : i32
            %parallel_loop3A_275 = arith.index_cast %parallel_loop3A_274 : i32 to index
            %parallel_loop3A_276 = tpu.vector_load %arg8[%parallel_loop3A_275] {strides = array<i32>} : memref<65536xf32, #tpu.memory_space<vmem>>, vector<16xf32>,
            %parallel_loop3A_277 = arith.mulf %parallel_loop3A_276, %get3A_5 : vector<16xf32>
            %parallel_loop3A_278 = arith.addf %parallel_loop3A_270, %parallel_loop3A_277 : vector<16xf32>
            %parallel_loop3A_279 = arith.constant 128 : i32
            %parallel_loop3A_280 = arith.muli %parallel_loop3A_265, %parallel_loop3A_279 : i32
            %parallel_loop3A_281 = arith.constant 32 : i32
            %parallel_loop3A_282 = arith.addi %parallel_loop3A_280, %parallel_loop3A_281 : i32
            %parallel_loop3A_283 = arith.index_cast %parallel_loop3A_282 : i32 to index
            %parallel_loop3A_284 = tpu.vector_load %arg8[%parallel_loop3A_283] {strides = array<i32>} : memref<65536xf32, #tpu.memory_space<vmem>>, vector<16xf32>,
            %parallel_loop3A_285 = arith.mulf %parallel_loop3A_284, %get3A_7 : vector<16xf32>
            %parallel_loop3A_286 = arith.addf %parallel_loop3A_278, %parallel_loop3A_285 : vector<16xf32>
            %parallel_loop3A_287 = arith.constant 128 : i32
            %parallel_loop3A_288 = arith.muli %parallel_loop3A_265, %parallel_loop3A_287 : i32
            %parallel_loop3A_289 = arith.constant 48 : i32
            %parallel_loop3A_290 = arith.addi %parallel_loop3A_288, %parallel_loop3A_289 : i32
            %parallel_loop3A_291 = arith.index_cast %parallel_loop3A_290 : i32 to index
            %parallel_loop3A_292 = tpu.vector_load %arg8[%parallel_loop3A_291] {strides = array<i32>} : memref<65536xf32, #tpu.memory_space<vmem>>, vector<16xf32>,
            %parallel_loop3A_293 = arith.mulf %parallel_loop3A_292, %get3A_9 : vector<16xf32>
            %parallel_loop3A_294 = arith.addf %parallel_loop3A_286, %parallel_loop3A_293 : vector<16xf32>
            %parallel_loop3A_295 = arith.constant 128 : i32
            %parallel_loop3A_296 = arith.muli %parallel_loop3A_265, %parallel_loop3A_295 : i32
            %parallel_loop3A_297 = arith.constant 64 : i32
            %parallel_loop3A_298 = arith.addi %parallel_loop3A_296, %parallel_loop3A_297 : i32
            %parallel_loop3A_299 = arith.index_cast %parallel_loop3A_298 : i32 to index
            %parallel_loop3A_300 = tpu.vector_load %arg8[%parallel_loop3A_299] {strides = array<i32>} : memref<65536xf32, #tpu.memory_space<vmem>>, vector<16xf32>,
            %parallel_loop3A_301 = arith.mulf %parallel_loop3A_300, %get3A_11 : vector<16xf32>
            %parallel_loop3A_302 = arith.addf %parallel_loop3A_294, %parallel_loop3A_301 : vector<16xf32>
            %parallel_loop3A_303 = arith.constant 128 : i32
            %parallel_loop3A_304 = arith.muli %parallel_loop3A_265, %parallel_loop3A_303 : i32
            %parallel_loop3A_305 = arith.constant 80 : i32
            %parallel_loop3A_306 = arith.addi %parallel_loop3A_304, %parallel_loop3A_305 : i32
            %parallel_loop3A_307 = arith.index_cast %parallel_loop3A_306 : i32 to index
            %parallel_loop3A_308 = tpu.vector_load %arg8[%parallel_loop3A_307] {strides = array<i32>} : memref<65536xf32, #tpu.memory_space<vmem>>, vector<16xf32>,
            %parallel_loop3A_309 = arith.mulf %parallel_loop3A_308, %get3A_13 : vector<16xf32>
            %parallel_loop3A_310 = arith.addf %parallel_loop3A_302, %parallel_loop3A_309 : vector<16xf32>
            %parallel_loop3A_311 = arith.constant 128 : i32
            %parallel_loop3A_312 = arith.muli %parallel_loop3A_265, %parallel_loop3A_311 : i32
            %parallel_loop3A_313 = arith.constant 96 : i32
            %parallel_loop3A_314 = arith.addi %parallel_loop3A_312, %parallel_loop3A_313 : i32
            %parallel_loop3A_315 = arith.index_cast %parallel_loop3A_314 : i32 to index
            %parallel_loop3A_316 = tpu.vector_load %arg8[%parallel_loop3A_315] {strides = array<i32>} : memref<65536xf32, #tpu.memory_space<vmem>>, vector<16xf32>,
            %parallel_loop3A_317 = arith.mulf %parallel_loop3A_316, %get3A_15 : vector<16xf32>
            %parallel_loop3A_318 = arith.addf %parallel_loop3A_310, %parallel_loop3A_317 : vector<16xf32>
            %parallel_loop3A_319 = arith.constant 128 : i32
            %parallel_loop3A_320 = arith.muli %parallel_loop3A_265, %parallel_loop3A_319 : i32
            %parallel_loop3A_321 = arith.constant 112 : i32
            %parallel_loop3A_322 = arith.addi %parallel_loop3A_320, %parallel_loop3A_321 : i32
            %parallel_loop3A_323 = arith.index_cast %parallel_loop3A_322 : i32 to index
            %parallel_loop3A_324 = tpu.vector_load %arg8[%parallel_loop3A_323] {strides = array<i32>} : memref<65536xf32, #tpu.memory_space<vmem>>, vector<16xf32>,
            %parallel_loop3A_325 = arith.mulf %parallel_loop3A_324, %get3A_17 : vector<16xf32>
            %parallel_loop3A_326 = arith.addf %parallel_loop3A_318, %parallel_loop3A_325 : vector<16xf32>
            %parallel_loop3A_327 = arith.constant true
            %parallel_loop3A_328 = vector.broadcast %parallel_loop3A_327 : i1 to vector<16xi1>
            %parallel_loop3A_329 = tpu.scan <sum>, %parallel_loop3A_326 masked %parallel_loop3A_328 : vector<16xf32>, vector<16xi1> -> vector<16xf32>
            %parallel_loop3A_330 = vector.extract %parallel_loop3A_329[15] : f32 from vector<16xf32>
            %parallel_loop3A_331 = arith.addf %parallel_loop3A_330, %reduce_sum3A_24 : f32
            %parallel_loop3A_332 = vector.broadcast %parallel_loop3A_265 : i32 to vector<16xi32>
            %parallel_loop3A_333 = vector.broadcast %parallel_loop3A_331 : f32 to vector<16xf32>
            %parallel_loop3A_334 = arith.constant 0 : i32
            %parallel_loop3A_335 = vector.broadcast %parallel_loop3A_334 : i32 to vector<16xi32>
            %parallel_loop3A_336 = arith.cmpi eq, %iota3A, %parallel_loop3A_335 : vector<16xi32>
            tpu.vector_store_idx %arg9[%parallel_loop3A_332], %parallel_loop3A_333 masked %parallel_loop3A_336 : memref<512xf32, #tpu.memory_space<vmem>>[vector<16xi32>], vector<16xf32>, vector<16xi1>
          } {sc.loop_unroll_factor = 8 : i64, sc.parallel_access}
        } else {
        }
        %jit3A_207 = arith.constant 16 : i32
        %div3A_208 = arith.divsi %sub3A_201, %jit3A_207 : i32
        %sign3A_209 = arith.constant 0 : i32
        %sign3A_210 = arith.cmpi sgt, %sub3A_201, %sign3A_209 : i32
        %sign3A_211 = arith.extui %sign3A_210 : i1 to i32
        %sign3A_212 = arith.constant 0 : i32
        %sign3A_213 = arith.cmpi slt, %sub3A_201, %sign3A_212 : i32
        %sign3A_214 = arith.extui %sign3A_213 : i1 to i32
        %sign3A_215 = arith.subi %sign3A_211, %sign3A_214 : i32
        %sign3A_216 = arith.constant 0 : i32
        %sign3A_217 = arith.cmpi sgt, %jit3A_207, %sign3A_216 : i32
        %sign3A_218 = arith.extui %sign3A_217 : i1 to i32
        %sign3A_219 = arith.constant 0 : i32
        %sign3A_220 = arith.cmpi slt, %jit3A_207, %sign3A_219 : i32
        %sign3A_221 = arith.extui %sign3A_220 : i1 to i32
        %sign3A_222 = arith.subi %sign3A_218, %sign3A_221 : i32
        %ne3A_223 = arith.cmpi ne, %sign3A_215, %sign3A_222 : i32
        %rem3A_224 = arith.remsi %sub3A_201, %jit3A_207 : i32
        %ne3A_225 = arith.constant 0 : i32
        %ne3A_226 = arith.cmpi ne, %rem3A_224, %ne3A_225 : i32
        %and3A_227 = arith.andi %ne3A_223, %ne3A_226 : i1
        %sub3A_228 = arith.constant 1 : i32
        %sub3A_229 = arith.subi %div3A_208, %sub3A_228 : i32
        %select_n3A_230 = arith.select %and3A_227, %sub3A_229, %div3A_208 : i32
        %add3A_231 = arith.addi %sub3A_201, %min3A_204 : i32
        %add3A_232 = arith.constant 15 : i32
        %add3A_233 = arith.addi %add3A_231, %add3A_232 : i32
        %jit3A_234 = arith.constant 16 : i32
        %div3A_235 = arith.divsi %add3A_233, %jit3A_234 : i32
        %sign3A_236 = arith.constant 0 : i32
        %sign3A_237 = arith.cmpi sgt, %add3A_233, %sign3A_236 : i32
        %sign3A_238 = arith.extui %sign3A_237 : i1 to i32
        %sign3A_239 = arith.constant 0 : i32
        %sign3A_240 = arith.cmpi slt, %add3A_233, %sign3A_239 : i32
        %sign3A_241 = arith.extui %sign3A_240 : i1 to i32
        %sign3A_242 = arith.subi %sign3A_238, %sign3A_241 : i32
        %sign3A_243 = arith.constant 0 : i32
        %sign3A_244 = arith.cmpi sgt, %jit3A_234, %sign3A_243 : i32
        %sign3A_245 = arith.extui %sign3A_244 : i1 to i32
        %sign3A_246 = arith.constant 0 : i32
        %sign3A_247 = arith.cmpi slt, %jit3A_234, %sign3A_246 : i32
        %sign3A_248 = arith.extui %sign3A_247 : i1 to i32
        %sign3A_249 = arith.subi %sign3A_245, %sign3A_248 : i32
        %ne3A_250 = arith.cmpi ne, %sign3A_242, %sign3A_249 : i32
        %rem3A_251 = arith.remsi %add3A_233, %jit3A_234 : i32
        %ne3A_252 = arith.constant 0 : i32
        %ne3A_253 = arith.cmpi ne, %rem3A_251, %ne3A_252 : i32
        %and3A_254 = arith.andi %ne3A_250, %ne3A_253 : i1
        %sub3A_255 = arith.constant 1 : i32
        %sub3A_256 = arith.subi %div3A_235, %sub3A_255 : i32
        %select_n3A_257 = arith.select %and3A_254, %sub3A_256, %div3A_235 : i32
        %parallel_loop3A = arith.constant 1 : i32
        scf.for %parallel_loop3A_261 = %select_n3A_230 to %select_n3A_257 step %parallel_loop3A  : i32 {
          %parallel_loop3A_262 = arith.constant 16 : i32
          %parallel_loop3A_263 = arith.muli %parallel_loop3A_262, %parallel_loop3A_261 : i32
          %parallel_loop3A_264 = arith.index_cast %parallel_loop3A_263 : i32 to index
          %parallel_loop3A_265 = tpu.vector_load %arg9[%parallel_loop3A_264] {strides = array<i32>} : memref<512xf32, #tpu.memory_space<vmem>>, vector<16xf32>,
          %parallel_loop3A_266 = vector.broadcast %while3A_105#0 : f32 to vector<16xf32>
          %parallel_loop3A_267 = arith.subf %parallel_loop3A_265, %parallel_loop3A_266 : vector<16xf32>
          %parallel_loop3A_268 = math.exp %parallel_loop3A_267 : vector<16xf32>
          %parallel_loop3A_269 = arith.mulf %parallel_loop3A_268, %div3A_112 : vector<16xf32>
          %parallel_loop3A_270 = arith.constant 16 : i32
          %parallel_loop3A_271 = arith.muli %parallel_loop3A_270, %parallel_loop3A_261 : i32
          %parallel_loop3A_272 = arith.index_cast %parallel_loop3A_271 : i32 to index
          %parallel_loop3A_273 = tpu.vector_load %arg9[%parallel_loop3A_272] {strides = array<i32>} : memref<512xf32, #tpu.memory_space<vmem>>, vector<16xf32>,
          tpu.vector_store %arg9[%parallel_loop3A_272], %parallel_loop3A_269 {strides = array<i32>} : memref<512xf32, #tpu.memory_space<vmem>>, vector<16xf32>,
        } {sc.loop_unroll_factor = 4 : i64, sc.parallel_access}
        %add3A_258 = arith.addi %sub3A_201, %min3A_204 : i32
        %parallel_loop3A_259 = arith.constant 1 : i32
        %parallel_loop3A_260:8 = scf.for %parallel_loop3A_261 = %sub3A_201 to %add3A_258 step %parallel_loop3A_259 iter_args(%parallel_loop3A_262 = %while3A_189, %parallel_loop3A_263 = %while3A_190, %parallel_loop3A_264 = %while3A_191, %parallel_loop3A_265 = %while3A_192, %parallel_loop3A_266 = %while3A_193, %parallel_loop3A_267 = %while3A_194, %parallel_loop3A_268 = %while3A_195, %parallel_loop3A_269 = %while3A_196) -> (vector<16xf32>, vector<16xf32>, vector<16xf32>, vector<16xf32>, vector<16xf32>, vector<16xf32>, vector<16xf32>, vector<16xf32>)  : i32 {
          %parallel_loop3A_270 = vector.broadcast %parallel_loop3A_261 : i32 to vector<16xi32>
          %parallel_loop3A_271 = tpu.vector_load_idx %arg9[%parallel_loop3A_270] : memref<512xf32, #tpu.memory_space<vmem>>[vector<16xi32>], vector<16xf32>,
          %parallel_loop3A_272 = arith.constant 128 : i32
          %parallel_loop3A_273 = arith.muli %parallel_loop3A_261, %parallel_loop3A_272 : i32
          %parallel_loop3A_274 = arith.constant 0 : i32
          %parallel_loop3A_275 = arith.addi %parallel_loop3A_273, %parallel_loop3A_274 : i32
          %parallel_loop3A_276 = arith.index_cast %parallel_loop3A_275 : i32 to index
          %parallel_loop3A_277 = tpu.vector_load %arg8[%parallel_loop3A_276] {strides = array<i32>} : memref<65536xf32, #tpu.memory_space<vmem>>, vector<16xf32>,
          %parallel_loop3A_278 = arith.mulf %parallel_loop3A_277, %parallel_loop3A_271 : vector<16xf32>
          %parallel_loop3A_279 = arith.addf %parallel_loop3A_262, %parallel_loop3A_278 : vector<16xf32>
          %parallel_loop3A_280 = arith.constant 128 : i32
          %parallel_loop3A_281 = arith.muli %parallel_loop3A_261, %parallel_loop3A_280 : i32
          %parallel_loop3A_282 = arith.constant 16 : i32
          %parallel_loop3A_283 = arith.addi %parallel_loop3A_281, %parallel_loop3A_282 : i32
          %parallel_loop3A_284 = arith.index_cast %parallel_loop3A_283 : i32 to index
          %parallel_loop3A_285 = tpu.vector_load %arg8[%parallel_loop3A_284] {strides = array<i32>} : memref<65536xf32, #tpu.memory_space<vmem>>, vector<16xf32>,
          %parallel_loop3A_286 = arith.mulf %parallel_loop3A_285, %parallel_loop3A_271 : vector<16xf32>
          %parallel_loop3A_287 = arith.addf %parallel_loop3A_263, %parallel_loop3A_286 : vector<16xf32>
          %parallel_loop3A_288 = arith.constant 128 : i32
          %parallel_loop3A_289 = arith.muli %parallel_loop3A_261, %parallel_loop3A_288 : i32
          %parallel_loop3A_290 = arith.constant 32 : i32
          %parallel_loop3A_291 = arith.addi %parallel_loop3A_289, %parallel_loop3A_290 : i32
          %parallel_loop3A_292 = arith.index_cast %parallel_loop3A_291 : i32 to index
          %parallel_loop3A_293 = tpu.vector_load %arg8[%parallel_loop3A_292] {strides = array<i32>} : memref<65536xf32, #tpu.memory_space<vmem>>, vector<16xf32>,
          %parallel_loop3A_294 = arith.mulf %parallel_loop3A_293, %parallel_loop3A_271 : vector<16xf32>
          %parallel_loop3A_295 = arith.addf %parallel_loop3A_264, %parallel_loop3A_294 : vector<16xf32>
          %parallel_loop3A_296 = arith.constant 128 : i32
          %parallel_loop3A_297 = arith.muli %parallel_loop3A_261, %parallel_loop3A_296 : i32
          %parallel_loop3A_298 = arith.constant 48 : i32
          %parallel_loop3A_299 = arith.addi %parallel_loop3A_297, %parallel_loop3A_298 : i32
          %parallel_loop3A_300 = arith.index_cast %parallel_loop3A_299 : i32 to index
          %parallel_loop3A_301 = tpu.vector_load %arg8[%parallel_loop3A_300] {strides = array<i32>} : memref<65536xf32, #tpu.memory_space<vmem>>, vector<16xf32>,
          %parallel_loop3A_302 = arith.mulf %parallel_loop3A_301, %parallel_loop3A_271 : vector<16xf32>
          %parallel_loop3A_303 = arith.addf %parallel_loop3A_265, %parallel_loop3A_302 : vector<16xf32>
          %parallel_loop3A_304 = arith.constant 128 : i32
          %parallel_loop3A_305 = arith.muli %parallel_loop3A_261, %parallel_loop3A_304 : i32
          %parallel_loop3A_306 = arith.constant 64 : i32
          %parallel_loop3A_307 = arith.addi %parallel_loop3A_305, %parallel_loop3A_306 : i32
          %parallel_loop3A_308 = arith.index_cast %parallel_loop3A_307 : i32 to index
          %parallel_loop3A_309 = tpu.vector_load %arg8[%parallel_loop3A_308] {strides = array<i32>} : memref<65536xf32, #tpu.memory_space<vmem>>, vector<16xf32>,
          %parallel_loop3A_310 = arith.mulf %parallel_loop3A_309, %parallel_loop3A_271 : vector<16xf32>
          %parallel_loop3A_311 = arith.addf %parallel_loop3A_266, %parallel_loop3A_310 : vector<16xf32>
          %parallel_loop3A_312 = arith.constant 128 : i32
          %parallel_loop3A_313 = arith.muli %parallel_loop3A_261, %parallel_loop3A_312 : i32
          %parallel_loop3A_314 = arith.constant 80 : i32
          %parallel_loop3A_315 = arith.addi %parallel_loop3A_313, %parallel_loop3A_314 : i32
          %parallel_loop3A_316 = arith.index_cast %parallel_loop3A_315 : i32 to index
          %parallel_loop3A_317 = tpu.vector_load %arg8[%parallel_loop3A_316] {strides = array<i32>} : memref<65536xf32, #tpu.memory_space<vmem>>, vector<16xf32>,
          %parallel_loop3A_318 = arith.mulf %parallel_loop3A_317, %parallel_loop3A_271 : vector<16xf32>
          %parallel_loop3A_319 = arith.addf %parallel_loop3A_267, %parallel_loop3A_318 : vector<16xf32>
          %parallel_loop3A_320 = arith.constant 128 : i32
          %parallel_loop3A_321 = arith.muli %parallel_loop3A_261, %parallel_loop3A_320 : i32
          %parallel_loop3A_322 = arith.constant 96 : i32
          %parallel_loop3A_323 = arith.addi %parallel_loop3A_321, %parallel_loop3A_322 : i32
          %parallel_loop3A_324 = arith.index_cast %parallel_loop3A_323 : i32 to index
          %parallel_loop3A_325 = tpu.vector_load %arg8[%parallel_loop3A_324] {strides = array<i32>} : memref<65536xf32, #tpu.memory_space<vmem>>, vector<16xf32>,
          %parallel_loop3A_326 = arith.mulf %parallel_loop3A_325, %parallel_loop3A_271 : vector<16xf32>
          %parallel_loop3A_327 = arith.addf %parallel_loop3A_268, %parallel_loop3A_326 : vector<16xf32>
          %parallel_loop3A_328 = arith.constant 128 : i32
          %parallel_loop3A_329 = arith.muli %parallel_loop3A_261, %parallel_loop3A_328 : i32
          %parallel_loop3A_330 = arith.constant 112 : i32
          %parallel_loop3A_331 = arith.addi %parallel_loop3A_329, %parallel_loop3A_330 : i32
          %parallel_loop3A_332 = arith.index_cast %parallel_loop3A_331 : i32 to index
          %parallel_loop3A_333 = tpu.vector_load %arg8[%parallel_loop3A_332] {strides = array<i32>} : memref<65536xf32, #tpu.memory_space<vmem>>, vector<16xf32>,
          %parallel_loop3A_334 = arith.mulf %parallel_loop3A_333, %parallel_loop3A_271 : vector<16xf32>
          %parallel_loop3A_335 = arith.addf %parallel_loop3A_269, %parallel_loop3A_334 : vector<16xf32>
          scf.yield %parallel_loop3A_279, %parallel_loop3A_287, %parallel_loop3A_295, %parallel_loop3A_303, %parallel_loop3A_311, %parallel_loop3A_319, %parallel_loop3A_327, %parallel_loop3A_335 : vector<16xf32>, vector<16xf32>, vector<16xf32>, vector<16xf32>, vector<16xf32>, vector<16xf32>, vector<16xf32>, vector<16xf32>
        } {sc.loop_unroll_factor = 8 : i64, sc.parallel_access}
        scf.yield %parallel_loop3A_260#0, %parallel_loop3A_260#1, %parallel_loop3A_260#2, %parallel_loop3A_260#3, %parallel_loop3A_260#4, %parallel_loop3A_260#5, %parallel_loop3A_260#6, %parallel_loop3A_260#7 : vector<16xf32>, vector<16xf32>, vector<16xf32>, vector<16xf32>, vector<16xf32>, vector<16xf32>, vector<16xf32>, vector<16xf32>
      }
      %mul3A_140 = arith.constant 128 : i32
      %mul3A_141 = arith.muli %scan3A_37, %mul3A_140 : i32
      %add3A_142 = arith.constant 0 : i32
      %add3A_143 = arith.addi %mul3A_141, %add3A_142 : i32
      %swap3A = arith.index_cast %add3A_143 : i32 to index
      %swap3A_144 = tpu.vector_load %arg10[%swap3A] {strides = array<i32>} : memref<2048xf32, #tpu.memory_space<vmem>>, vector<16xf32>,
      tpu.vector_store %arg10[%swap3A], %while3A_139#0 {strides = array<i32>} : memref<2048xf32, #tpu.memory_space<vmem>>, vector<16xf32>,
      %mul3A_145 = arith.constant 128 : i32
      %mul3A_146 = arith.muli %scan3A_37, %mul3A_145 : i32
      %add3A_147 = arith.constant 16 : i32
      %add3A_148 = arith.addi %mul3A_146, %add3A_147 : i32
      %swap3A_149 = arith.index_cast %add3A_148 : i32 to index
      %swap3A_150 = tpu.vector_load %arg10[%swap3A_149] {strides = array<i32>} : memref<2048xf32, #tpu.memory_space<vmem>>, vector<16xf32>,
      tpu.vector_store %arg10[%swap3A_149], %while3A_139#1 {strides = array<i32>} : memref<2048xf32, #tpu.memory_space<vmem>>, vector<16xf32>,
      %mul3A_151 = arith.constant 128 : i32
      %mul3A_152 = arith.muli %scan3A_37, %mul3A_151 : i32
      %add3A_153 = arith.constant 32 : i32
      %add3A_154 = arith.addi %mul3A_152, %add3A_153 : i32
      %swap3A_155 = arith.index_cast %add3A_154 : i32 to index
      %swap3A_156 = tpu.vector_load %arg10[%swap3A_155] {strides = array<i32>} : memref<2048xf32, #tpu.memory_space<vmem>>, vector<16xf32>,
      tpu.vector_store %arg10[%swap3A_155], %while3A_139#2 {strides = array<i32>} : memref<2048xf32, #tpu.memory_space<vmem>>, vector<16xf32>,
      %mul3A_157 = arith.constant 128 : i32
      %mul3A_158 = arith.muli %scan3A_37, %mul3A_157 : i32
      %add3A_159 = arith.constant 48 : i32
      %add3A_160 = arith.addi %mul3A_158, %add3A_159 : i32
      %swap3A_161 = arith.index_cast %add3A_160 : i32 to index
      %swap3A_162 = tpu.vector_load %arg10[%swap3A_161] {strides = array<i32>} : memref<2048xf32, #tpu.memory_space<vmem>>, vector<16xf32>,
      tpu.vector_store %arg10[%swap3A_161], %while3A_139#3 {strides = array<i32>} : memref<2048xf32, #tpu.memory_space<vmem>>, vector<16xf32>,
      %mul3A_163 = arith.constant 128 : i32
      %mul3A_164 = arith.muli %scan3A_37, %mul3A_163 : i32
      %add3A_165 = arith.constant 64 : i32
      %add3A_166 = arith.addi %mul3A_164, %add3A_165 : i32
      %swap3A_167 = arith.index_cast %add3A_166 : i32 to index
      %swap3A_168 = tpu.vector_load %arg10[%swap3A_167] {strides = array<i32>} : memref<2048xf32, #tpu.memory_space<vmem>>, vector<16xf32>,
      tpu.vector_store %arg10[%swap3A_167], %while3A_139#4 {strides = array<i32>} : memref<2048xf32, #tpu.memory_space<vmem>>, vector<16xf32>,
      %mul3A_169 = arith.constant 128 : i32
      %mul3A_170 = arith.muli %scan3A_37, %mul3A_169 : i32
      %add3A_171 = arith.constant 80 : i32
      %add3A_172 = arith.addi %mul3A_170, %add3A_171 : i32
      %swap3A_173 = arith.index_cast %add3A_172 : i32 to index
      %swap3A_174 = tpu.vector_load %arg10[%swap3A_173] {strides = array<i32>} : memref<2048xf32, #tpu.memory_space<vmem>>, vector<16xf32>,
      tpu.vector_store %arg10[%swap3A_173], %while3A_139#5 {strides = array<i32>} : memref<2048xf32, #tpu.memory_space<vmem>>, vector<16xf32>,
      %mul3A_175 = arith.constant 128 : i32
      %mul3A_176 = arith.muli %scan3A_37, %mul3A_175 : i32
      %add3A_177 = arith.constant 96 : i32
      %add3A_178 = arith.addi %mul3A_176, %add3A_177 : i32
      %swap3A_179 = arith.index_cast %add3A_178 : i32 to index
      %swap3A_180 = tpu.vector_load %arg10[%swap3A_179] {strides = array<i32>} : memref<2048xf32, #tpu.memory_space<vmem>>, vector<16xf32>,
      tpu.vector_store %arg10[%swap3A_179], %while3A_139#6 {strides = array<i32>} : memref<2048xf32, #tpu.memory_space<vmem>>, vector<16xf32>,
      %mul3A_181 = arith.constant 128 : i32
      %mul3A_182 = arith.muli %scan3A_37, %mul3A_181 : i32
      %add3A_183 = arith.constant 112 : i32
      %add3A_184 = arith.addi %mul3A_182, %add3A_183 : i32
      %swap3A_185 = arith.index_cast %add3A_184 : i32 to index
      %swap3A_186 = tpu.vector_load %arg10[%swap3A_185] {strides = array<i32>} : memref<2048xf32, #tpu.memory_space<vmem>>, vector<16xf32>,
      tpu.vector_store %arg10[%swap3A_185], %while3A_139#7 {strides = array<i32>} : memref<2048xf32, #tpu.memory_space<vmem>>, vector<16xf32>,
      %scan3A_187 = arith.constant 0 : i32
      scf.yield %scan3A_187 : i32
    }
    %scan3A_34 = arith.constant 16 : i32
    %mul3A_35 = arith.constant 128 : i32
    %mul3A_36 = arith.muli %mul3A_2, %mul3A_35 : i32
    "tpu.region"() ({
      %run_scoped3A = tpu.sem_alloc : memref<!tpu.dma_semaphore, #tpu.memory_space<semaphore_mem>>
      %dma_start3A = tpu.memref_slice %arg5[%mul3A_36] : memref<65536xf32, #tpu.memory_space<hbm>> -> memref<2048xf32, #tpu.memory_space<hbm>>
      %dma_start3A_37 = tpu.memref_slice %arg5[%mul3A_36] : memref<65536xf32, #tpu.memory_space<hbm>> -> memref<2048xf32, #tpu.memory_space<hbm>>
      tpu.enqueue_dma source(%arg10 : memref<2048xf32, #tpu.memory_space<vmem>>) target(%dma_start3A_37 : memref<2048xf32, #tpu.memory_space<hbm>>) target_semaphore(%run_scoped3A : memref<!tpu.dma_semaphore, #tpu.memory_space<semaphore_mem>>)
      %dma_wait3A = tpu.memref_slice %arg5[%mul3A_36] : memref<65536xf32, #tpu.memory_space<hbm>> -> memref<2048xf32, #tpu.memory_space<hbm>>
      %dma_wait3A_38 = tpu.memref_slice %arg5[%mul3A_36] : memref<65536xf32, #tpu.memory_space<hbm>> -> memref<2048xf32, #tpu.memory_space<hbm>>
      tpu.wait_dma2 semaphore(%run_scoped3A : memref<!tpu.dma_semaphore, #tpu.memory_space<semaphore_mem>>) src(%arg10 : memref<2048xf32, #tpu.memory_space<vmem>>) dst(%dma_wait3A_38 : memref<2048xf32, #tpu.memory_space<hbm>>)
      tpu.yield
    }) : () -> ()
    return
  }
}

</mosaic_0001>

<sc_bundles>
// kernel: kernel.3.cloned.1.call-start
scs
__scs_entry_jumppad:
0x0: {  	(pc) =	sbr.rel $0x88, $3  }
0x1: {  	(tag) =	ssettag $0x0;
	lr =	simm.s32 $0x1  }
0x2: {  	[smem:$0x3F9D] =	sst lr;
	_ =	strace $0xD0000000  }
0x3: {  	_ = 	snop  }
0x4: {  	_ = 	snop  }
0x5: {  	_ = 	snop  }
0x6: {  	_ = 	snop  }
0x7: {  	_ = 	snop  }
__scs_overlays_trampoline_lowered:
0x8: {  	[smem:$0x3FAC] =	sst s0  }
0x9: {  	[smem:$0x3FAD] =	sst s1  }
0xa: {  	[smem:$0x3FAE] =	sst s2  }
0xb: {  	[smem:$0x3FAF] =	sst s3  }
0xc: {  	[smem:$0x3FB0] =	sst s4  }
0xd: {  	[smem:$0x3FB1] =	sst s5  }
0xe: {  	[smem:$0x3FB2] =	sst s6  }
0xf: {  	[smem:$0x3FB3] =	sst s7  }
0x10: {  	[smem:$0x3FB4] =	sst s8  }
0x11: {  	[smem:$0x3FB5] =	sst s9;
	s0 =	simm.s32 @!p0 $0x0  }
0x12: {  	s1 =	sld [smem:$0x3F9B];
	s0 =	simm.s32 @p0 $0x1  }
0x13: {  	[smem:$0x3FB6] =	sst s0;
	s0 =	simm.s32 @!p1 $0x0  }
0x14: {  	s2 =	sld [smem:$0x3F9A];
	s0 =	simm.s32 @p1 $0x1  }
0x15: {  	[smem:$0x3FB7] =	sst s0;
	s0 =	simm.s32 @!p2 $0x0  }
0x16: {  	s3 =	sld [smem:$0x3FDB];
	s0 =	simm.s32 @p2 $0x1  }
0x17: {  	s4 =	simm.s32 $0x1BF5;
	[smem:$0x3FB9] =	sst s0  }
0x18: {  	s0 =	sld [smem:$0x3F9C];
	_ =	swait.ge [sflag:s4], $0x0  }
0x19: {  	s7 =	sld [smem:$0x3F9D]  }
0x1a: {  	s8 =	sadd.s32 $0xFFFFE003, lr  }
0x1b: {  	s9 =	sadd.s32 $0xFFFFFEF7, lr;
	s5 =	simm.s32 $0xFFFFFFFF;
	p2 =	slt.u32 s8, $0xFFFFF086  }
0x1c: {  	p1 =	slt.u32 s9, $0xF7A;
	s5 =	simm.s32 @!p2 $0x0  }
0x1d: {  	s5 =	simm.s32 @p1 $0x1;
	p0 =	seq.s32 s7, s2  }
0x1e: {  	s7 =	smul.u32 @!p0 $0xF7A, s2;
	p2 =	seq.s32 @!p0 s5, $0x0  }
0x1f: {  	s9 =	smul.u32 $0xF7A, s1;
	s8 =	simm.s32 @!p0 $0x1BF5;
	p2 =	por !p2, p0  }
0x20: {  	[sflag:s8] =	ssyncset.s32 @!p0 $0xFFFFF086;
	s6 =	sadd.s32 @!p0 s3, s7;
	s7 =	simm.s32 @!p0 $0x108  }
0x21: {  	s3 =	sadd.s32 s3, s9;
	s6 =	sadd.s32 @!p0 $0x88, s6;
	s7 =	simm.s32 @p2 $0x1082  }
0x22: {  	[simem:s7], [sflag:s8] =	dma.local @!p0 [hbm:s6], $0xF7A  }
0x23: {  	s9 =	sor.u32 $0xD0000000, s2;
	s6 =	simm.s32 $0x108;
	_ =	swait.ge @!p0 [sflag:s8], $0x0  }
0x24: {  	s3 =	sadd.s32 $0x88, s3;
	s6 =	simm.s32 @!p1 $0x1082;
	[sflag:s4] =	ssyncset.s32 $0xFFFFF086  }
0x25: {  	[simem:s6], [sflag:s4] =	dma.local [hbm:s3], $0xF7A  }
0x26: {  	[smem:$0x3F9D] =	sst s1;
	(tag) =	ssettag s2;
	_ =	strace s9  }
0x27: {  	s1 =	sld [smem:$0x3FAD]  }
0x28: {  	s2 =	sld [smem:$0x3FAE]  }
0x29: {  	s4 =	sld [smem:$0x3FB0]  }
0x2a: {  	p0 =	seq.s32 s5, $0x0;
	s5 =	sld [smem:$0x3FB1]  }
0x2b: {  	s6 =	sld [smem:$0x3FB2]  }
0x2c: {  	s7 =	sld [smem:$0x3FB3]  }
0x2d: {  	s3 =	simm.s32 $0x108;
	s8 =	sld [smem:$0x3FB4]  }
0x2e: {  	s3 =	simm.s32 @!p0 $0x1082;
	s9 =	sld [smem:$0x3FB5]  }
0x2f: {  	lr =	sadd.s32 s0, s3;
	s0 =	sld [smem:$0x3FAC]  }
0x30: {  	s3 =	sld [smem:$0x3FAF]  }
0x31: {  	[smem:$0x3FB8] =	sst s10  }
0x32: {  	s10 =	sld [smem:$0x3FB6];
	_ =	sdelay $0x3  }
0x33: {  	p0 =	seq.s32 s10, $0x1;
	s10 =	sld [smem:$0x3FB8];
	_ =	sdelay $0x3  }
0x34: {  	[smem:$0x3FB8] =	sst s10  }
0x35: {  	s10 =	sld [smem:$0x3FB7];
	_ =	sdelay $0x3  }
0x36: {  	p1 =	seq.s32 s10, $0x1;
	s10 =	sld [smem:$0x3FB8];
	_ =	sdelay $0x3  }
0x37: {  	[smem:$0x3FB8] =	sst s10  }
0x38: {  	s10 =	sld [smem:$0x3FB9]  }
0x39: {  	_ = 	snop;
	(pc) =	sbr.ind lr, $3  }
0x3a: {  	_ = 	snop  }
0x3b: {  	_ = 	snop  }
0x3c: {  	p2 =	seq.s32 s10, $0x1;
	s10 =	sld [smem:$0x3FB8]  }
0x3d: {  	_ =	shalt  }
0x3e: {  	_ =	shalt  }
0x3f: {  	_ =	shalt  }
0x40: {  	_ =	shalt  }
0x41: {  	_ =	shalt  }
0x42: {  	_ =	shalt  }
0x43: {  	_ =	shalt  }
0x44: {  	_ =	shalt  }
0x45: {  	_ =	shalt  }
0x46: {  	_ =	shalt  }
0x47: {  	_ =	shalt  }
0x48: {  	_ =	shalt  }
0x49: {  	_ =	shalt  }
0x4a: {  	_ =	shalt  }
0x4b: {  	_ =	shalt  }
0x4c: {  	_ =	shalt  }
0x4d: {  	_ =	shalt  }
0x4e: {  	_ =	shalt  }
0x4f: {  	_ =	shalt  }
0x50: {  	_ =	shalt  }
0x51: {  	_ =	shalt  }
0x52: {  	_ =	shalt  }
0x53: {  	_ =	shalt  }
0x54: {  	_ =	shalt  }
0x55: {  	_ =	shalt  }
0x56: {  	_ =	shalt  }
0x57: {  	_ =	shalt  }
0x58: {  	_ =	shalt  }
0x59: {  	_ =	shalt  }
0x5a: {  	_ =	shalt  }
0x5b: {  	_ =	shalt  }
0x5c: {  	_ =	shalt  }
0x5d: {  	_ =	shalt  }
0x5e: {  	_ =	shalt  }
0x5f: {  	_ =	shalt  }
0x60: {  	_ =	shalt  }
0x61: {  	_ =	shalt  }
0x62: {  	_ =	shalt  }
0x63: {  	_ =	shalt  }
0x64: {  	_ =	shalt  }
0x65: {  	_ =	shalt  }
0x66: {  	_ =	shalt  }
0x67: {  	_ =	shalt  }
0x68: {  	_ =	shalt  }
0x69: {  	_ =	shalt  }
0x6a: {  	_ =	shalt  }
0x6b: {  	_ =	shalt  }
0x6c: {  	_ =	shalt  }
0x6d: {  	_ =	shalt  }
0x6e: {  	_ =	shalt  }
0x6f: {  	_ =	shalt  }
0x70: {  	_ =	shalt  }
0x71: {  	_ =	shalt  }
0x72: {  	_ =	shalt  }
0x73: {  	_ =	shalt  }
0x74: {  	_ =	shalt  }
0x75: {  	_ =	shalt  }
0x76: {  	_ =	shalt  }
0x77: {  	_ =	shalt  }
0x78: {  	_ =	shalt  }
0x79: {  	_ =	shalt  }
0x7a: {  	_ =	shalt  }
0x7b: {  	_ =	shalt  }
0x7c: {  	_ =	shalt  }
0x7d: {  	_ =	shalt  }
0x7e: {  	_ =	shalt  }
0x7f: {  	_ =	shalt  }
0x80: {  	_ =	shalt  }
0x81: {  	_ =	shalt  }
0x82: {  	_ =	shalt  }
0x83: {  	_ =	shalt  }
0x84: {  	_ =	shalt  }
0x85: {  	_ =	shalt  }
0x86: {  	_ =	shalt  }
0x87: {  	_ =	shalt  }
.Lfunc_end0:
.L_simem_size_0:
called_computation_lowered:
.L_overlay_start_0:
0x88: {  	s2 =	sld [smem:$0x3FD9]  }
0x89: {  	s3 =	sld [smem:$0x3FFE];
	_ =	sdelay $0x1  }
0x8a: {  	s1 =	srdreg.scid  }
0x8b: {  	s0 =	sand.u32 $0x1, s1  }
0x8c: {  	s17 =	sshll.u32 s0, $0xA;
	s2 =	sadd.s32 s3, s2  }
0x8d: {  	s2 =	sadd.s32 s2, s17  }
0x8e: {  	[smem:$0x3FC4] =	sst s2  }
0x8f: {  	_ = 	snop  }
0x90: {  	s2 =	sld [smem:$0x3FC9]  }
0x91: {  	s18 =	sld [smem:$0x3FD0];
	(tm) =	ssettm $0x1  }
0x92: {  	s4 =	sld [smem:$0x3FFB];
	_ =	sdelay $0x3  }
0x93: {  	_ =	strace s4  }
0x94: {  	s4 =	sld [smem:$0x3FFC];
	_ =	sdelay $0x3  }
0x95: {  	_ =	strace s4  }
0x96: {  	s4 =	sld [smem:$0x3FFD];
	_ =	sdelay $0x3  }
0x97: {  	_ =	strace s4  }
0x98: {  	_ =	strace $0x8FFFFFFF  }
0x99: {  	s19 =	sld [smem:$0x3FDB];
	_ =	sdelay $0x1  }
0x9a: {  	s5 =	simm.s32 $_scs_section_size  }
0x9b: {  	s6 =	simm.s32 $_size__tile_overlayer_lowered;
	s7 =	simm.s32 $_tile_overlayer_lowered  }
0x9c: {  	s22 =	simm.s32 $0x1BFF;
	s21 =	sshll.u32 s7, $0x1;
	s4 =	sadd.s32 s5, s19  }
0x9d: {  	s8 =	simm.s32 $0x0;
	s20 =	sshll.u32 s6, $0x1;
	s6 =	sadd.s32 s21, s4  }
0x9e: {  	[timem:s8], [sflag:s22] =	dma.local [hbm:s6], s20  }
0x9f: {  	_ =	swait.ge [sflag:s22], s20  }
0xa0: {  	s5 =	ssub.s32 $0x0, s20;
	[sflag:s22] =	ssyncset.done $0x0  }
0xa1: {  	[sflag:s22] =	ssyncadd.s32 s5;
	_ =	sdelay $0x1  }
0xa2: {  	s23 =	simm.s32 $0x1B8B  }
0xa3: {  	_ =	swait.ge [sflag:s23], $0x1  }
0xa4: {  	[sflag:s23] =	ssyncset.done $0x0  }
0xa5: {  	s25 =	simm.s32 $0x1B8E;
	s24 =	sld [smem:$0x3FFE];
	[sflag:s23] =	ssyncadd.s32 $0xFFFFFFFF  }
0xa6: {  	s26 =	simm.s32 $execute0_lowered;
	[smem:$0x3FD2] =	sst s25  }
0xa7: {  	s6 =	sshll.u32 s26, $0x1;
	_ =	strace $0x80000046;
	[dreg:$0x1] =	wrdreg $0xFFFFFFFF  }
0xa8: {  	s28 =	simm.s32 $_size_execute0_lowered;
	s4 =	sadd.s32 s4, s6;
	[dreg:$0x0] =	wrdreg $0x0  }
0xa9: {  	s6 =	sshll.u32 s28, $0x1;
	[dreg:$0x2] =	wrdreg s4  }
0xaa: {  	[dreg:$0x3] =	wrdreg s6  }
0xab: {  	[dreg:$0x4] =	wrdreg $0xC0  }
0xac: {  	_ =	task [dreg:s8], $0x5FFFF  }
0xad: {  	[dreg:$0x1] =	wrdreg $0xFFFFFFFF  }
0xae: {  	[dreg:$0x0] =	wrdreg $0x60  }
0xaf: {  	[dreg:$0x2] =	wrdreg s2  }
0xb0: {  	[dreg:$0x3] =	wrdreg s24  }
0xb1: {  	[dreg:$0x4] =	wrdreg s18  }
0xb2: {  	[dreg:$0x5] =	wrdreg $0x9  }
0xb3: {  	_ =	task.clear_ibuf [dreg:s8], $0x6FFFF;
	_ =	strace $0x90000046  }
0xb4: {  	s29 =	simm.s32 $0x9;
	_ =	strace $0x80000048  }
0xb5: {  	_ =	swait.ge [sflag:s29], $0x1  }
0xb6: {  	[sflag:s29] =	ssyncadd.s32 $0xFFFFFFFF  }
0xb7: {  	_ =	strace $0x90000048  }
0xb8: {  	_ =	sfence  }
0xb9: {  	s30 =	sld [smem:$0x0];
	_ =	sdelay $0x2  }
0xba: {  	s31 =	sshll.u32 s1, $0xD;
	s1 =	sshrl.u32 s1, $0x2  }
0xbb: {  	s3 =	sand.u32 $0x4000, s31;
	s1 =	sadd.s32 s1, s30  }
0xbc: {  	s0 =	sor.u32 s3, s0;
	s1 =	sshll.u32 s1, $0x11  }
0xbd: {  	s0 =	sor.u32 s1, s0  }
0xbe: {  	s0 =	sadd.s32 $0x8F2B, s0  }
0xbf: {  	[sflag:s0] =	ssyncadd.remote.s32 $0x1  }
0xc0: {  	_ =	sfence.sel $0xFFFF  }
0xc1: {  	[dreg:$0x0] =	wrdreg $0xFFFFFFFF;
	(pc) =	sbr.abs _section_cstart, $3  }
0xc2: {  	[dreg:$0x1] =	wrdreg $0xFFFFFFFF  }
0xc3: {  	_ =	task.clear_ibuf [dreg:s8], $0x2FFFF;
	_ =	strace $0x9FFFFFFF  }
0xc4: {  	(tm) =	ssettm $0x7FFFFFFF  }
0xc5: {  	_ =	shalt  }
tec
execute0_lowered:
.L_overlay_start_1:
0x0: {  	(tag) =	ssettag $0x1  }
0x1: {  	s1 =	rddreg [dreg:$0x0]  }
0x2: {  	s2 =	srdreg.scid;
	s3 =	stileid.u32  }
0x3: {  	s0 =	rddreg [dreg:$0x1];
	s2 =	sand.u32 $0x1, s2;
	s5 =	sshll.u32 s3, $0x1  }
0x4: {  	s4 =	rddreg [dreg:$0x2];
	s3 =	simm.s32 $0x0;
	s5 =	sor.u32 s2, s5  }
0x5: {  	[smem:$0x7FF] =	sst s3;
	s2 =	ssub.s32 $0x2, s2;
	s6 =	sshll.u32 s5, $0x1  }
0x6: {  	_ =	strace $0x80000047;
	s7 =	sshrl.u32 s2, $0x1;
	s30 =	sshll.u32 s5, $0x8  }
.Ltmp0:
0x7: {  	s6 =	sadd.s32 s6, s0;
	s0 =	sadd.s32 $0xA00, s0;
	(pc) =	sbr.rel .LBB2_1-.Ltmp0, $4  }
0x8: {  	s29 =	ssub.s32 s2, s7;
	s2 =	sadd.s32 s4, s30;
	[dreg:$0x5] =	wrdreg s0  }
0x9: {  	s8 =	simm.s32 $0x1;
	s31 =	sadd.s32 $0x800, s6;
	[dreg:$0x7] =	wrdreg s2  }
0xa: {  	s10 =	simm.s32 $0x180;
	s0 =	smax.u32 s29, $0x1;
	[dreg:$0x6] =	wrdreg s31  }
0xb: {  	vm0 =	vmmov $0x1;
	v0 =	vlaneseq.u32;
	s11 =	simm.s32 $0x10180;
	s2 =	simm.s32 $0x0;
	[dreg:$0x8] =	wrdreg s0  }
.LBB2_49:
0xc: {  	s0 =	rddreg [dreg:$0x7];
	s2 =	simm.s32 $0x10380  }
0xd: {  	[hbm4b:s0+s3] =	stream.linear.scatter [tilespmem:s2], [sflag:$0x1], $0x800, $0x38;
	[tilespmem:$0x10B80] =	vst v63  }
0xe: {  	_ =	swait.ge [sflag:s8], $0x800  }
0xf: {  	s30 =	rddreg [dreg:$0x9]  }
0x10: {  	s31 =	rddreg [dreg:$0x8];
	s2 =	sadd.s32 $0x1, s30  }
0x11: {  	p0 =	sne.s32 s2, s31  }
.Ltmp1:
0x12: {  	_ = 	snop;
	(pc) =	sbr.rel @!p0 .LBB2_50-.Ltmp1, $3  }
0x13: {  	_ =	sdelay $0x1  }
0x14: {  	[sflag:s8] =	ssyncset.done $0x0  }
0x15: {  	[sflag:s8] =	ssyncadd.s32 $0xFFFFF800  }
.LBB2_1:
0x16: {  	[dreg:$0x9] =	wrdreg s2  }
0x17: {  	s0 =	rddreg [dreg:$0x6]  }
0x18: {  	[tilespmem:s3], [sflag:$0x1] =	stream.linear.gather [hbm4b:s0+s3], $0x20, $0x38;
	[tilespmem:$0x10B80] =	vst v63  }
0x19: {  	_ =	swait.ge [sflag:s8], $0x20  }
0x1a: {  	[sflag:s8] =	ssyncset.done $0x0  }
0x1b: {  	s31 =	simm.s32 $0x80;
	s30 =	rddreg [dreg:$0x5];
	[sflag:s8] =	ssyncadd.s32 $0xFFFFFFE0  }
0x1c: {  	[tilespmem:s31], [sflag:$0x1] =	stream.linear.gather [hbm4b:s30+s3], $0x100, $0x38;
	[tilespmem:$0x10B80] =	vst v63  }
0x1d: {  	_ =	swait.ge [sflag:s8], $0x100  }
0x1e: {  	[sflag:s8] =	ssyncset.done $0x0  }
0x1f: {  	[sflag:s8] =	ssyncadd.s32 $0xFFFFFF00  }
0x20: {  	v1 =	vld [tilespmem:$0x100];
	_ =	sdelay $0x4  }
0x21: {  	v1 =	vnsel vm0, $0x0, v1  }
0x22: {  	(xrf2) =	vadd.scan.msk.f32 $0xffff, v1;
	_ =	sdelay $0x9  }
0x23: {  	v1, _, _ =	vpop (xrf2)  }
0x24: {  	(v2sf) =	vpush v1, $0xF;
	_ =	sdelay $0x5  }
0x25: {  	v2 =	vld [tilespmem:$0x90]  }
0x26: {  	v3 =	vld [tilespmem:$0xA0]  }
0x27: {  	v4 =	vld [tilespmem:$0xB0]  }
0x28: {  	v5 =	vld [tilespmem:$0xC0]  }
0x29: {  	v6 =	vld [tilespmem:$0xD0]  }
.Ltmp2:
0x2a: {  	v7 =	vld [tilespmem:$0xE0];
	(pc) =	sbr.rel .LBB2_2-.Ltmp2, $4  }
0x2b: {  	v8 =	vld [tilespmem:$0xF0]  }
0x2c: {  	v9 =	vld [tilespmem:$0x0]  }
0x2d: {  	v10 =	vld [tilespmem:$0x10]  }
0x2e: {  	s16 =	simm.s32 $0x0;
	v1 =	vld [tilespmem:$0x80];
	s14 =	spop (v2sf)  }
.LBB2_3:
0x2f: {  	v20 =	vimm.f32 $0.0e+00;
	v19 =	vimm.f32 $0.0e+00  }
0x30: {  	v18 =	vimm.f32 $0.0e+00;
	v16 =	vimm.f32 $0.0e+00;
	v17 =	vimm.f32 $0.0e+00  }
0x31: {  	v14 =	vimm.f32 $0.0e+00;
	v15 =	vimm.f32 $0.0e+00;
	v13 =	vimm.f32 $0.0e+00  }
.LBB2_48:
0x32: {  	s0 =	sshll.u32 s16, $0x7  }
0x33: {  	s0 =	sand.u32 $0x3FFFFF80, s0  }
0x34: {  	[tilespmem:s0+$0x10380] =	vst v20  }
0x35: {  	s16 =	rddreg [dreg:$0xa];
	[tilespmem:s0+$0x10390] =	vst v19  }
0x36: {  	p0 =	sne.s32 s16, $0x10;
	[tilespmem:s0+$0x103A0] =	vst v18  }
.Ltmp3:
0x37: {  	[tilespmem:s0+$0x103B0] =	vst v16;
	(pc) =	sbr.rel @!p0 .LBB2_49-.Ltmp3, $4  }
0x38: {  	[tilespmem:s0+$0x103C0] =	vst v17  }
0x39: {  	[tilespmem:s0+$0x103D0] =	vst v14  }
0x3a: {  	[tilespmem:s0+$0x103E0] =	vst v15  }
0x3b: {  	[tilespmem:s0+$0x103F0] =	vst v13  }
.LBB2_2:
0x3c: {  	v11 =	vmov s16;
	s5 =	sadd.s32 $0x1, s16  }
0x3d: {  	s0 =	sadd.s32 $0xFFFFFFF1, s16;
	vm1 =	veq.s32 v11, v0;
	v11 =	vmov s5  }
0x3e: {  	v12 =	vnsel vm1, $0x0, v9;
	vm1 =	veq.s32 v11, v0;
	v11 =	vmov s0  }
0x3f: {  	(xrf0) =	vadd.scan.msk.s32 $0xffff, v12;
	v63 =	vnsel vm1, $0x0, v9;
	vm1 =	veq.s32 v11, v0  }
0x40: {  	(xrf0) =	vadd.scan.msk.s32 $0xffff, v63;
	v11 =	vnsel vm1, $0x0, v10  }
0x41: {  	(xrf0) =	vadd.scan.msk.s32 $0xffff, v11;
	_ =	sdelay $0x3  }
0x42: {  	v11, _, _ =	vpop (xrf0)  }
0x43: {  	v12, _, _ =	vpop (xrf0);
	(v2sf) =	vpush v11, $0xF  }
0x44: {  	(v2sf) =	vpush v12, $0xF;
	v11, _, _ =	vpop (xrf0)  }
0x45: {  	(v2sf) =	vpush v11, $0xF;
	_ =	sdelay $0xc  }
0x46: {  	s4 =	spop (v2sf)  }
0x47: {  	s28 =	spop (v2sf)  }
0x48: {  	s2 =	spop (v2sf)  }
0x49: {  	s18 =	sadd.s32 s2, s28  }
0x4a: {  	s19 =	ssub.s32 s18, s4  }
0x4b: {  	s29 =	sadd.s32 $0x1FF, s19  }
0x4c: {  	s30 =	sand.u32 $0x1FF, s29  }
0x4d: {  	s31 =	sshra.s32 s29, $0x1F;
	p1 =	slt.s32 s29, $0x1;
	p0 =	sne.s32 s30, $0x0  }
0x4e: {  	s2 =	sshrl.u32 s31, $0x17;
	p0 =	por !p1, !p0  }
0x4f: {  	s0 =	sadd.s32 s2, s29;
	s2 =	simm.s32 $0x1;
	p0 =	por !p0, !p0  }
0x50: {  	s0 =	sshra.s32 s0, $0x9;
	s2 =	simm.s32 @!p0 $0x0  }
0x51: {  	s20 =	ssub.s32 s0, s2  }
0x52: {  	p0 =	slt.s32 s20, $0x1  }
.Ltmp4:
0x53: {  	_ = 	snop;
	(pc) =	sbr.rel @p0 .LBB2_3-.Ltmp4, $2  }
0x54: {  	_ =	sdelay $0x2  }
0x55: {  	[dreg:$0xa] =	wrdreg s5  }
.Ltmp5:
0x56: {  	(pc) =	sbr.rel .LBB2_5-.Ltmp5, $4  }
0x57: {  	s0 =	sshll.u32 s4, $0x9  }
0x58: {  	s22 =	simm.s32 $0x0;
	s0 =	sshra.s32 s0, $0x2  }
0x59: {  	s28 =	simm.f32 $-Inf;
	s24 =	simm.f32 $0.0e+00;
	s12 =	sadd.s32 $0x570, s0  }
0x5a: {  	s26 =	smov.u32 s19;
	s0 =	smov.u32 s4;
	s21 =	smov.u32 s12  }
.LBB2_21:
0x5b: {  	s2 =	ssub.f32 s28, s9;
	_ =	sdelay $0x1  }
0x5c: {  	v11 =	vmov s2  }
0x5d: {  	v11 =	vmul.f32 $1.442695020e+00, v11;
	_ =	sdelay $0x1  }
0x5e: {  	v11 =	vbroadcast v11, $0x0;
	_ =	sdelay $0x1  }
0x5f: {  	(erf) = vpow2.f32 v11;
	_ =	sdelay $0x8  }
0x60: {  	v11 =	vpop (erf)  }
0x61: {  	v11 =	vnsel vm0, $0x0, v11  }
0x62: {  	(xrf2) =	vadd.scan.msk.f32 $0xffff, v11;
	_ =	sdelay $0x1  }
0x63: {  	(xrf2) =	vadd.scan.msk.f32 $0xffff, v13;
	_ =	sdelay $0x7  }
0x64: {  	v11, _, _ =	vpop (xrf2)  }
0x65: {  	(v2sf) =	vpush v11, $0xF  }
0x66: {  	v11, _, _ =	vpop (xrf2)  }
0x67: {  	(v2sf) =	vpush v11, $0xF;
	_ =	sdelay $0x9  }
0x68: {  	s22 =	sadd.s32 $0x1, s22  }
0x69: {  	p0 =	sne.s32 s22, s20  }
.Ltmp6:
0x6a: {  	_ = 	snop;
	(pc) =	sbr.rel @!p0 .LBB2_22-.Ltmp6, $4  }
0x6b: {  	s31 =	spop (v2sf)  }
0x6c: {  	s2 =	smul.f32 s31, s24  }
0x6d: {  	s26 =	sadd.s32 $0xFFFFFE00, s26;
	s0 =	sadd.s32 $0x200, s0;
	s5 =	spop (v2sf)  }
0x6e: {  	s21 =	sadd.s32 $0x10000, s21;
	s28 =	smov.u32 s9;
	s24 =	sadd.f32 s5, s2  }
.LBB2_5:
0x6f: {  	s2 =	sshll.u32 s22, $0x9  }
0x70: {  	s5 =	sadd.s32 s4, s2  }
0x71: {  	p0 =	slt.s32 s5, $0x184A0;
	s6 =	smov.u32 s5  }
0x72: {  	s2 =	ssub.s32 s18, s5;
	s6 =	simm.s32 @!p0 $0x184A0  }
0x73: {  	p0 =	slt.s32 s2, $0x200;
	s7 =	sshll.u32 s6, $0x4  }
0x74: {  	s2 =	simm.s32 @!p0 $0x200;
	s7 =	sand.u32 $0x1FFFFFF0, s7  }
0x75: {  	s25 =	sshra.s32 s2, $0x1F;
	s7 =	sadd.s32 s1, s7  }
0x76: {  	[tilespmem:s10], [sflag:$0x1] =	stream.linear.gather [hbm4b:s7+s3], $0x10000, $0x38;
	[tilespmem:$0x10B80] =	vst v63  }
0x77: {  	s7 =	sshrl.u32 s25, $0x1D  }
0x78: {  	s7 =	sadd.s32 s7, s2  }
0x79: {  	s29 =	ssub.s32 s5, s6;
	s31 =	sand.u32 $0xFFFFFFF8, s7  }
0x7a: {  	s30 =	sadd.s32 s29, s31  }
0x7b: {  	p1 =	sge.s32 s29, s30  }
.Ltmp7:
0x7c: {  	_ = 	snop;
	(pc) =	sbr.rel @p1 .LBB2_8-.Ltmp7, $4  }
0x7d: {  	_ = 	snop  }
0x7e: {  	_ =	swait.ge [sflag:s8], $0x10000  }
0x7f: {  	p0 =	slt.s32 s0, $0x184A0;
	s25 =	smov.u32 s0;
	[sflag:s8] =	ssyncset.done $0x0  }
0x80: {  	s25 =	simm.s32 @!p0 $0x184A0;
	[sflag:s8] =	ssyncadd.s32 $0xFFFF0000  }
0x81: {  	s5 =	sshll.u32 s25, $0x9  }
0x82: {  	s9 =	ssub.s32 $0x0, s25;
	s5 =	ssub.s32 $0x0, s5  }
0x83: {  	s23 =	smov.u32 s21;
	s17 =	smov.u32 s0;
	[dreg:$0x4] =	wrdreg s5  }
.LBB2_7:
0x84: {  	s5 =	rddreg [dreg:$0x4]  }
0x85: {  	s5 =	sshra.s32 s5, $0x2  }
0x86: {  	s5 =	sadd.s32 s5, s23  }
0x87: {  	v11 =	vld [tilespmem:s5+$0xFFFFFC10]  }
0x88: {  	v12 =	vld [tilespmem:s5+$0xFFFFFC20]  }
0x89: {  	v13 =	vld [tilespmem:s5+$0xFFFFFC30]  }
0x8a: {  	v14 =	vld [tilespmem:s5+$0xFFFFFC40]  }
0x8b: {  	v15 =	vld [tilespmem:s5+$0xFFFFFC50]  }
0x8c: {  	v16 =	vld [tilespmem:s5+$0xFFFFFC60]  }
0x8d: {  	v17 =	vld [tilespmem:s5+$0xFFFFFC70]  }
0x8e: {  	v18 =	vld [tilespmem:s5+$0xFFFFFC80]  }
0x8f: {  	v19 =	vld [tilespmem:s5+$0xFFFFFC90]  }
0x90: {  	v20 =	vld [tilespmem:s5+$0xFFFFFCA0]  }
0x91: {  	v21 =	vld [tilespmem:s5+$0xFFFFFCB0]  }
0x92: {  	v22 =	vld [tilespmem:s5+$0xFFFFFCC0]  }
0x93: {  	v23 =	vld [tilespmem:s5+$0xFFFFFCD0]  }
0x94: {  	v24 =	vld [tilespmem:s5+$0xFFFFFCE0]  }
0x95: {  	v25 =	vld [tilespmem:s5+$0xFFFFFCF0]  }
0x96: {  	v26 =	vld [tilespmem:s5+$0xFFFFFD00]  }
0x97: {  	v27 =	vld [tilespmem:s5+$0xFFFFFD10]  }
0x98: {  	v28 =	vld [tilespmem:s5+$0xFFFFFD20]  }
0x99: {  	v29 =	vld [tilespmem:s5+$0xFFFFFD30]  }
0x9a: {  	v30 =	vld [tilespmem:s5+$0xFFFFFD40]  }
0x9b: {  	v31 =	vld [tilespmem:s5+$0xFFFFFD50]  }
0x9c: {  	v32 =	vld [tilespmem:s5+$0xFFFFFD60]  }
0x9d: {  	v33 =	vld [tilespmem:s5+$0xFFFFFD70]  }
0x9e: {  	v34 =	vld [tilespmem:s5+$0xFFFFFD80]  }
0x9f: {  	v35 =	vld [tilespmem:s5+$0xFFFFFD90]  }
0xa0: {  	v36 =	vld [tilespmem:s5+$0xFFFFFDA0];
	v11 =	vmul.f32 v11, v1;
	v12 =	vmul.f32 v12, v2  }
0xa1: {  	v37 =	vld [tilespmem:s5+$0xFFFFFDB0];
	v19 =	vmul.f32 v19, v1;
	v20 =	vmul.f32 v20, v2  }
0xa2: {  	v38 =	vld [tilespmem:s5+$0xFFFFFDC0];
	v61 =	vmul.f32 v13, v3;
	v62 =	vmul.f32 v21, v3  }
0xa3: {  	v39 =	vld [tilespmem:s5+$0xFFFFFDD0];
	v63 =	vmul.f32 v14, v4;
	v40 =	vmul.f32 v22, v4  }
0xa4: {  	v41 =	vld [tilespmem:s5+$0xFFFFFE10];
	v42 =	vmul.f32 v15, v5;
	v44 =	vmul.f32 v23, v5  }
0xa5: {  	v43 =	vld [tilespmem:s5+$0xFFFFFE20];
	v45 =	vmul.f32 v16, v6;
	v46 =	vmul.f32 v17, v7  }
0xa6: {  	v55 =	vld [tilespmem:s5+$0xFFFFFE90];
	v47 =	vmul.f32 v24, v6;
	v48 =	vmul.f32 v25, v7  }
0xa7: {  	v57 =	vld [tilespmem:s5+$0xFFFFFEA0];
	v49 =	vmul.f32 v27, v1;
	v50 =	vmul.f32 v28, v2  }
0xa8: {  	v59 =	vld [tilespmem:s5+$0xFFFFFEB0];
	v51 =	vmul.f32 v35, v1;
	v52 =	vmul.f32 v36, v2  }
0xa9: {  	v13 =	vld [tilespmem:s5+$0xFFFFFDE0];
	v53 =	vmul.f32 v29, v3;
	v54 =	vmul.f32 v37, v3  }
0xaa: {  	v21 =	vld [tilespmem:s5+$0xFFFFFDF0];
	v18 =	vmul.f32 v18, v8;
	v56 =	vmul.f32 v30, v4  }
0xab: {  	v14 =	vld [tilespmem:s5+$0xFFFFFE00];
	v26 =	vmul.f32 v26, v8;
	v58 =	vmul.f32 v38, v4  }
0xac: {  	v23 =	vld [tilespmem:s5+$0xFFFFFE30];
	v60 =	vmul.f32 v31, v5;
	v37 =	vmul.f32 v32, v6  }
0xad: {  	v17 =	vld [tilespmem:s5+$0xFFFFFE40];
	v38 =	vmul.f32 v33, v7;
	v41 =	vmul.f32 v41, v1  }
0xae: {  	v25 =	vld [tilespmem:s5+$0xFFFFFE50];
	v15 =	vmul.f32 v43, v2;
	v11 =	vadd.f32 v12, v11;
	v19 =	vadd.f32 v20, v19  }
0xaf: {  	v28 =	vld [tilespmem:s5+$0xFFFFFE60];
	v43 =	vmul.f32 v55, v1;
	v12 =	vadd.f32 v50, v49;
	v20 =	vadd.f32 v52, v51  }
0xb0: {  	v15 =	vadd.f32 v15, v41;
	v49 =	vld [tilespmem:s5+$0xFFFFFF90];
	v50 =	vmul.f32 v34, v8;
	v11 =	vadd.f32 v61, v11  }
0xb1: {  	v52 =	vld [tilespmem:s5+$0xFFFFFFA0];
	v19 =	vadd.f32 v62, v19;
	v62 =	vmul.f32 v39, v5;
	v13 =	vmul.f32 v13, v6  }
0xb2: {  	v55 =	vld [tilespmem:s5+$0xFFFFFFB0];
	v12 =	vadd.f32 v53, v12;
	v21 =	vmul.f32 v21, v7;
	v51 =	vmul.f32 v17, v4  }
0xb3: {  	v36 =	vld [tilespmem:s5+$0xFFFFFE70];
	v20 =	vadd.f32 v54, v20;
	v14 =	vmul.f32 v14, v8;
	v54 =	vmul.f32 v25, v5  }
0xb4: {  	v34 =	vld [tilespmem:s5+$0xFFFFFF70];
	v28 =	vmul.f32 v28, v6;
	v11 =	vadd.f32 v63, v11;
	v19 =	vadd.f32 v40, v19  }
0xb5: {  	v39 =	vld [tilespmem:s5+$0xFFFFFEE0];
	v12 =	vadd.f32 v56, v12;
	v20 =	vadd.f32 v58, v20;
	v29 =	vmul.f32 v49, v1  }
0xb6: {  	v63 =	vld [tilespmem:s5+$0xFFFFFED0];
	v17 =	vmul.f32 v52, v2;
	v11 =	vadd.f32 v42, v11;
	v19 =	vadd.f32 v44, v19  }
0xb7: {  	v25 =	vmul.f32 v55, v3;
	v40 =	vld [tilespmem:s5+$0xFFFFFEF0];
	v12 =	vadd.f32 v60, v12;
	v20 =	vadd.f32 v62, v20  }
0xb8: {  	v44 =	vmul.f32 v57, v2;
	v17 =	vadd.f32 v17, v29;
	v11 =	vadd.f32 v45, v11;
	v45 =	vld [tilespmem:s5+$0xFFFFFF10]  }
0xb9: {  	v35 =	vmul.f32 v36, v7;
	v19 =	vadd.f32 v47, v19;
	v12 =	vadd.f32 v37, v12;
	v47 =	vld [tilespmem:s5+$0xFFFFFF20]  }
0xba: {  	v61 =	vld [tilespmem:s5+$0xFFFFFEC0];
	v41 =	vmul.f32 v34, v7;
	v13 =	vadd.f32 v13, v20;
	v20 =	vadd.f32 v44, v43  }
0xbb: {  	v53 =	vld [tilespmem:s5+$0xFFFFFF30];
	v57 =	vmul.f32 v63, v5;
	v63 =	vmul.f32 v39, v6;
	v17 =	vadd.f32 v25, v17  }
0xbc: {  	v27 =	vld [tilespmem:s5+$0xFFFFFE80];
	v24 =	vmul.f32 v40, v7;
	v11 =	vadd.f32 v46, v11;
	v19 =	vadd.f32 v48, v19  }
0xbd: {  	v58 =	vld [tilespmem:s5+$0xFFFFFF40];
	v12 =	vadd.f32 v38, v12;
	v46 =	vmul.f32 v23, v3;
	v48 =	vmul.f32 v59, v3  }
0xbe: {  	v60 =	vld [tilespmem:s5+$0xFFFFFFC0];
	v13 =	vadd.f32 v21, v13;
	v59 =	vmul.f32 v45, v1;
	v23 =	vmul.f32 v47, v2  }
0xbf: {  	v11 =	vadd.f32 v18, v11;
	v15 =	vadd.f32 v46, v15;
	v18 =	vmul.f32 v61, v4;
	v61 =	vld [tilespmem:s5+$0xFFFFFF50]  }
0xc0: {  	v62 =	vld [tilespmem:s5+$0xFFFFFFD0];
	v21 =	vmul.f32 v53, v3;
	v20 =	vadd.f32 v48, v20;
	v16 =	vadd.f32 v23, v59  }
0xc1: {  	v32 =	vld [tilespmem:s5+$0xFFFFFF60];
	v40 =	vmul.f32 v27, v8;
	v19 =	vadd.f32 v26, v19;
	v15 =	vadd.f32 v51, v15  }
0xc2: {  	v33 =	vld [tilespmem:s5+$0xFFFFFFE0];
	v56 =	vadd.f32 v18, v20;
	v20 =	vmul.f32 v58, v4;
	v16 =	vadd.f32 v21, v16  }
0xc3: {  	v42 =	vld [tilespmem:s5+$0xFFFFFF00];
	v12 =	vadd.f32 v50, v12;
	v13 =	vadd.f32 v14, v13;
	v26 =	vmul.f32 v60, v4  }
0xc4: {  	v36 =	vld [tilespmem:s5+$0xFFFFFFF0];
	v15 =	vadd.f32 v54, v15;
	v18 =	vmul.f32 v61, v5;
	v16 =	vadd.f32 v20, v16  }
0xc5: {  	v37 =	vld [tilespmem:s5+$0xFFFFFF80];
	v17 =	vadd.f32 v26, v17;
	v23 =	vmul.f32 v62, v5;
	v14 =	vadd.f32 v57, v56  }
0xc6: {  	v39 =	vld [tilespmem:s5+$0x0];
	v38 =	vmul.f32 v32, v6;
	v15 =	vadd.f32 v28, v15;
	v16 =	vadd.f32 v18, v16  }
0xc7: {  	v17 =	vadd.f32 v23, v17;
	v21 =	vmul.f32 v33, v6;
	v14 =	vadd.f32 v63, v14  }
0xc8: {  	v42 =	vmul.f32 v42, v8;
	(xrf2) =	vadd.scan.msk.f32 $0xffff, v11;
	v15 =	vadd.f32 v35, v15;
	v11 =	vadd.f32 v38, v16  }
0xc9: {  	(xrf2) =	vadd.scan.msk.f32 $0xffff, v19;
	v17 =	vadd.f32 v21, v17;
	v20 =	vmul.f32 v36, v7;
	v14 =	vadd.f32 v24, v14  }
0xca: {  	v44 =	vmul.f32 v37, v8;
	(xrf2) =	vadd.scan.msk.f32 $0xffff, v12;
	v43 =	vadd.f32 v40, v15;
	v11 =	vadd.f32 v41, v11  }
0xcb: {  	v47 =	vmul.f32 v39, v8;
	(xrf2) =	vadd.scan.msk.f32 $0xffff, v13;
	v46 =	vadd.f32 v20, v17;
	v45 =	vadd.f32 v42, v14  }
0xcc: {  	(xrf2) =	vadd.scan.msk.f32 $0xffff, v43;
	v11 =	vadd.f32 v44, v11  }
0xcd: {  	v48 =	vadd.f32 v47, v46;
	(xrf2) =	vadd.scan.msk.f32 $0xffff, v45  }
0xce: {  	(xrf2) =	vadd.scan.msk.f32 $0xffff, v11  }
0xcf: {  	(xrf2) =	vadd.scan.msk.f32 $0xffff, v48;
	_ =	sdelay $0x2  }
0xd0: {  	v11, _, _ =	vpop (xrf2)  }
0xd1: {  	v49, _, _ =	vpop (xrf2);
	(v2sf) =	vpush v11, $0xF  }
0xd2: {  	v11, _, _ =	vpop (xrf2);
	(v2sf) =	vpush v49, $0xF  }
0xd3: {  	v50, _, _ =	vpop (xrf2);
	(v2sf) =	vpush v11, $0xF  }
0xd4: {  	v11, _, _ =	vpop (xrf2);
	(v2sf) =	vpush v50, $0xF  }
0xd5: {  	v51, _, _ =	vpop (xrf2);
	(v2sf) =	vpush v11, $0xF  }
0xd6: {  	(v2sf) =	vpush v51, $0xF;
	v11, _, _ =	vpop (xrf2)  }
0xd7: {  	(v2sf) =	vpush v11, $0xF;
	v11, _, _ =	vpop (xrf2)  }
0xd8: {  	(v2sf) =	vpush v11, $0xF;
	_ =	sdelay $0x5  }
0xd9: {  	s5 =	sadd.s32 s17, s9  }
0xda: {  	v11 =	vmov s5  }
0xdb: {  	s6 =	sadd.s32 $0x1, s5;
	s15 =	sadd.s32 $0x2, s5;
	s7 =	spop (v2sf)  }
0xdc: {  	v52 =	vmov s6;
	s6 =	sadd.s32 $0x3, s5;
	s13 =	spop (v2sf);
	s7 =	sadd.f32 s7, s14  }
0xdd: {  	v53 =	vmov s15;
	v54 =	vmov s6;
	s6 =	sadd.s32 $0x4, s5;
	s15 =	spop (v2sf);
	s13 =	sadd.f32 s13, s14  }
0xde: {  	v56 =	vmov s6;
	s6 =	sadd.s32 $0x5, s5;
	v55 =	vmov s7;
	s7 =	spop (v2sf)  }
0xdf: {  	s15 =	sadd.f32 s15, s14;
	v57 =	vmov s13;
	s13 =	spop (v2sf);
	[tilespmem:v11+s11+$0x0] =	vst.idx.msk $0x1, v55;
	v11 =	vmov s6;
	s6 =	sadd.s32 $0x6, s5  }
0xe0: {  	s7 =	sadd.f32 s7, s14;
	v59 =	vmov s6;
	s6 =	spop (v2sf)  }
0xe1: {  	s5 =	sadd.s32 $0x7, s5;
	v58 =	vmov s15;
	s13 =	sadd.f32 s13, s14;
	s15 =	spop (v2sf)  }
0xe2: {  	s17 =	sadd.s32 $0x8, s17;
	v61 =	vmov s5;
	s5 =	sadd.f32 s15, s14;
	s15 =	spop (v2sf)  }
0xe3: {  	[tilespmem:v52+s11+$0x0] =	vst.idx.msk $0x1, v57;
	v62 =	vmov s13;
	s13 =	sadd.f32 s15, s14;
	s15 =	sadd.s32 s17, s9  }
0xe4: {  	[tilespmem:v53+s11+$0x0] =	vst.idx.msk $0x1, v58;
	v60 =	vmov s7;
	s6 =	sadd.f32 s6, s14;
	p0 =	slt.s32 s15, s30  }
.Ltmp8:
0xe5: {  	[tilespmem:v54+s11+$0x0] =	vst.idx.msk $0x1, v60;
	(pc) =	sbr.rel @p0 .LBB2_7-.Ltmp8, $4  }
0xe6: {  	[tilespmem:v56+s11+$0x0] =	vst.idx.msk $0x1, v62;
	v63 =	vmov s6  }
0xe7: {  	[tilespmem:v11+s11+$0x0] =	vst.idx.msk $0x1, v63;
	v11 =	vmov s5  }
0xe8: {  	[tilespmem:v59+s11+$0x0] =	vst.idx.msk $0x1, v11;
	v11 =	vmov s13  }
0xe9: {  	s23 =	sadd.s32 $0x400, s23;
	[tilespmem:v61+s11+$0x0] =	vst.idx.msk $0x1, v11  }
.LBB2_8:
0xea: {  	s5 =	sadd.s32 s2, s29  }
0xeb: {  	p0 =	sge.s32 s30, s5  }
.Ltmp9:
0xec: {  	_ = 	snop;
	(pc) =	sbr.rel @p0 .LBB2_11-.Ltmp9, $1  }
0xed: {  	_ =	sdelay $0x3  }
0xee: {  	p0 =	slt.s32 s26, $0x200;
	s6 =	smov.u32 s26  }
0xef: {  	s6 =	simm.s32 @!p0 $0x200  }
0xf0: {  	s2 =	ssub.s32 s2, s31;
	s6 =	sadd.s32 s0, s6  }
0xf1: {  	s6 =	ssub.s32 s6, s2  }
0xf2: {  	s6 =	ssub.s32 s6, s25  }
0xf3: {  	s6 =	sshll.u32 s6, $0x9  }
0xf4: {  	s6 =	sshra.s32 s6, $0x2  }
0xf5: {  	s6 =	sadd.s32 $0x1C0, s6  }
.LBB2_10:
0xf6: {  	v11 =	vld [tilespmem:s6+$0xFFFFFFC0]  }
0xf7: {  	v12 =	vld [tilespmem:s6+$0xFFFFFFD0];
	_ =	sdelay $0x1  }
0xf8: {  	v13 =	vld [tilespmem:s6+$0xFFFFFFE0];
	_ =	sdelay $0x1  }
0xf9: {  	v14 =	vld [tilespmem:s6+$0xFFFFFFF0]  }
0xfa: {  	v11 =	vmul.f32 v11, v1;
	v12 =	vmul.f32 v12, v2  }
0xfb: {  	v15 =	vld [tilespmem:s6+$0x0]  }
0xfc: {  	v54 =	vmul.f32 v13, v3;
	v11 =	vadd.f32 v12, v11  }
0xfd: {  	v55 =	vld [tilespmem:s6+$0x10]  }
0xfe: {  	v56 =	vmul.f32 v14, v4;
	v11 =	vadd.f32 v54, v11  }
0xff: {  	v57 =	vld [tilespmem:s6+$0x20]  }
0x100: {  	v58 =	vmul.f32 v15, v5;
	v11 =	vadd.f32 v56, v11  }
0x101: {  	v59 =	vld [tilespmem:s6+$0x30]  }
0x102: {  	v60 =	vmul.f32 v55, v6;
	v11 =	vadd.f32 v58, v11;
	_ =	sdelay $0x1  }
0x103: {  	v61 =	vmul.f32 v57, v7;
	v11 =	vadd.f32 v60, v11;
	_ =	sdelay $0x1  }
0x104: {  	v62 =	vmul.f32 v59, v8;
	v11 =	vadd.f32 v61, v11;
	_ =	sdelay $0x1  }
0x105: {  	v11 =	vadd.f32 v62, v11;
	_ =	sdelay $0x1  }
0x106: {  	(xrf2) =	vadd.scan.msk.f32 $0xffff, v11;
	_ =	sdelay $0x9  }
0x107: {  	v11, _, _ =	vpop (xrf2)  }
0x108: {  	(v2sf) =	vpush v11, $0xF;
	_ =	sdelay $0xd  }
0x109: {  	p0 =	sne.s32 s2, $0x1;
	v11 =	vmov s30  }
.Ltmp10:
0x10a: {  	s7 =	spop (v2sf);
	(pc) =	sbr.rel @p0 .LBB2_10-.Ltmp10, $3  }
0x10b: {  	s7 =	sadd.f32 s7, s14;
	_ =	sdelay $0x1  }
0x10c: {  	v63 =	vmov s7  }
0x10d: {  	s6 =	sadd.s32 $0x80, s6;
	s2 =	sadd.s32 $0xFFFFFFFF, s2;
	s30 =	sadd.s32 $0x1, s30;
	[tilespmem:v11+s11+$0x0] =	vst.idx.msk $0x1, v63  }
.LBB2_11:
0x10e: {  	s2 =	sshra.s32 s29, $0x1F;
	s6 =	sand.u32 $0xF, s29  }
0x10f: {  	s7 =	sadd.s32 $0xF, s5;
	p0 =	slt.s32 s29, $0x1;
	s9 =	simm.s32 $0x1  }
0x110: {  	s2 =	sshrl.u32 s2, $0x1C;
	p1 =	sne.s32 s6, $0x0;
	s17 =	sand.u32 $0xF, s7  }
0x111: {  	p6 =	slt.s32 s7, $0x1;
	s23 =	sshra.s32 s7, $0x1F;
	s2 =	sadd.s32 s2, s29  }
0x112: {  	p0 =	por !p0, !p1;
	p2 =	sne.s32 s17, $0x0;
	s6 =	sshrl.u32 s23, $0x1C  }
0x113: {  	p1 =	por !p6, !p2;
	s2 =	sshra.s32 s2, $0x4;
	p0 =	por !p0, !p0  }
0x114: {  	s6 =	sadd.s32 s6, s7;
	s7 =	simm.s32 $0x1;
	p1 =	por !p1, !p1  }
0x115: {  	s9 =	simm.s32 @!p0 $0x0;
	s6 =	sshra.s32 s6, $0x4;
	s7 =	simm.s32 @!p1 $0x0  }
0x116: {  	s30 =	ssub.s32 s2, s9;
	s9 =	ssub.s32 s6, s7  }
0x117: {  	s17 =	ssub.s32 s9, s30  }
0x118: {  	s25 =	sshrl.u32 s17, $0x1E  }
0x119: {  	s2 =	sadd.s32 s25, s17  }
0x11a: {  	s23 =	sand.u32 $0xFFFFFFFC, s2  }
0x11b: {  	p1 =	slt.s32 s23, $0x1  }
.Ltmp11:
0x11c: {  	_ = 	snop;
	(pc) =	sbr.rel @p1 .LBB2_12-.Ltmp11, $3  }
0x11d: {  	_ =	sdelay $0x1  }
0x11e: {  	s31 =	sshll.u32 s30, $0x6  }
0x11f: {  	v11 =	vmov s29;
	v12 =	vmov s5;
	s29 =	sshll.u32 s30, $0x4;
	s5 =	sshra.s32 s31, $0x2;
	s2 =	sadd.s32 s30, s23  }
0x120: {  	s7 =	sadd.s32 $0x101A0, s5  }
0x121: {  	v14 =	vld [tilespmem:s7+$0xFFFFFFE0];
	_ =	sdelay $0x1  }
0x122: {  	s6 =	sadd.s32 $0x4, s30  }
0x123: {  	v16 =	vld [tilespmem:s7+$0xFFFFFFF0];
	p0 =	slt.s32 s6, s2  }
.Ltmp12:
0x124: {  	v13 =	vimm.f32 $-Inf;
	v15 =	vor.u32 s29, v0;
	(pc) =	sbr.rel @!p0 .LBB2_33-.Ltmp12, $4  }
0x125: {  	s13 =	sadd.s32 $0x10, s29;
	vm1 =	vge.s32 v15, v11;
	vm2 =	vlt.s32 v15, v12;
	v15 =	vmax.f32 v13, v14;
	v14 =	vld [tilespmem:s7+$0x0]  }
0x126: {  	v17 =	vor.u32 s13, v0;
	vm1 =	vmand vm1, vm2  }
0x127: {  	s31 =	sadd.s32 $0x20, s29;
	vm2 =	vlt.s32 v17, v12;
	v15 =	vsel vm1, v15, v13;
	vm1 =	vge.s32 v17, v11;
	v13 =	vld [tilespmem:s7+$0x10]  }
0x128: {  	s13 =	sadd.s32 $0x40, s7;
	s7 =	smov.u32 s29;
	vm1 =	vmand vm1, vm2;
	v17 =	vmax.f32 v15, v16;
	v16 =	vor.u32 s31, v0  }
.LBB2_32:
0x129: {  	v18 =	vld [tilespmem:s13+$0xFFFFFFE0];
	s6 =	sadd.s32 $0x4, s6;
	v15 =	vsel vm1, v17, v15;
	vm1 =	vge.s32 v16, v11;
	vm2 =	vlt.s32 v16, v12;
	s15 =	sadd.s32 $0x30, s7  }
0x12a: {  	p0 =	slt.s32 s6, s2;
	vm1 =	vmand vm1, vm2;
	v14 =	vmax.f32 v15, v14;
	v16 =	vor.u32 s15, v0  }
0x12b: {  	s7 =	sadd.s32 $0x40, s7;
	v17 =	vld [tilespmem:s13+$0xFFFFFFF0];
	v15 =	vsel vm1, v14, v15;
	vm1 =	vge.s32 v16, v11;
	vm2 =	vlt.s32 v16, v12  }
.Ltmp13:
0x12c: {  	v14 =	vor.u32 s7, v0;
	vm1 =	vmand vm1, vm2;
	v13 =	vmax.f32 v15, v13;
	(pc) =	sbr.rel @p0 .LBB2_32-.Ltmp13, $4  }
0x12d: {  	s15 =	sadd.s32 $0x10, s7;
	vm2 =	vge.s32 v14, v11;
	vm3 =	vlt.s32 v14, v12;
	v14 =	vld [tilespmem:s13+$0x0];
	v13 =	vsel vm1, v13, v15  }
0x12e: {  	v16 =	vor.u32 s15, v0;
	vm1 =	vmand vm2, vm3;
	v15 =	vmax.f32 v13, v18  }
0x12f: {  	s15 =	sadd.s32 $0x20, s7;
	vm2 =	vlt.s32 v16, v12;
	v15 =	vsel vm1, v15, v13;
	vm1 =	vge.s32 v16, v11;
	v13 =	vld [tilespmem:s13+$0x10]  }
0x130: {  	v16 =	vor.u32 s15, v0;
	s13 =	sadd.s32 $0x40, s13;
	vm1 =	vmand vm1, vm2;
	v17 =	vmax.f32 v15, v17  }
.LBB2_33:
.Ltmp14:
0x131: {  	v15 =	vsel vm1, v17, v15;
	vm1 =	vge.s32 v16, v11;
	vm2 =	vlt.s32 v16, v12;
	s6 =	sadd.s32 $0x30, s7;
	(pc) =	sbr.rel .LBB2_13-.Ltmp14, $4  }
0x132: {  	vm1 =	vmand vm1, vm2;
	v14 =	vmax.f32 v15, v14;
	v63 =	vor.u32 s6, v0  }
0x133: {  	v14 =	vsel vm1, v14, v15;
	vm1 =	vge.s32 v63, v11;
	vm2 =	vlt.s32 v63, v12  }
0x134: {  	vm1 =	vmand vm1, vm2;
	v13 =	vmax.f32 v14, v13  }
0x135: {  	v13 =	vsel vm1, v13, v14  }
.LBB2_12:
0x136: {  	v13 =	vimm.f32 $-Inf  }
.LBB2_13:
0x137: {  	p0 =	sge.s32 s2, s9  }
.Ltmp15:
0x138: {  	_ = 	snop;
	(pc) =	sbr.rel @p0 .LBB2_16-.Ltmp15, $2  }
0x139: {  	_ =	sdelay $0x2  }
0x13a: {  	s17 =	ssub.s32 s17, s23;
	s25 =	sshll.u32 s2, $0x6;
	s23 =	sshll.u32 s2, $0x4  }
0x13b: {  	s6 =	sshra.s32 s25, $0x2  }
0x13c: {  	s7 =	sshll.u32 s2, $0x4;
	s9 =	smov.u32 s17;
	s6 =	sadd.s32 $0x10180, s6  }
.LBB2_15:
0x13d: {  	v14 =	vld [tilespmem:s6+$0x0]  }
0x13e: {  	p2 =	sne.s32 s9, $0x1  }
.Ltmp16:
0x13f: {  	_ = 	snop;
	(pc) =	sbr.rel @p2 .LBB2_15-.Ltmp16, $4  }
0x140: {  	v15 =	vor.u32 s7, v0  }
0x141: {  	vm1 =	vge.s32 v15, v11;
	vm2 =	vlt.s32 v15, v12  }
0x142: {  	vm1 =	vmand vm1, vm2;
	v14 =	vmax.f32 v13, v14  }
0x143: {  	s6 =	sadd.s32 $0x10, s6;
	s7 =	sadd.s32 $0x10, s7;
	s9 =	sadd.s32 $0xFFFFFFFF, s9;
	v13 =	vsel vm1, v14, v13  }
.LBB2_16:
0x144: {  	(xrf0) =	vmax.scan.msk.f32 $0xffff, v13;
	_ =	sdelay $0x5  }
0x145: {  	v13, _, _ =	vpop (xrf0)  }
0x146: {  	(v2sf) =	vpush v13, $0xF;
	_ =	sdelay $0xb  }
.Ltmp17:
0x147: {  	_ = 	snop;
	(pc) =	sbr.rel @p1 .LBB2_17-.Ltmp17, $3  }
0x148: {  	_ =	sdelay $0x1  }
0x149: {  	s6 =	spop (v2sf)  }
0x14a: {  	s9 =	smax.f32 s28, s6  }
0x14b: {  	s5 =	sadd.s32 $0x101A0, s5  }
0x14c: {  	v15 =	vld [tilespmem:s5+$0xFFFFFFE0]  }
0x14d: {  	v14 =	vmov s9;
	v13 =	vimm.f32 $0.0e+00;
	v16 =	vor.u32 s29, v0;
	s6 =	sadd.s32 $0x20, s29;
	s7 =	sadd.s32 $0x30, s29;
	v17 =	vld [tilespmem:s5+$0x0]  }
0x14e: {  	s31 =	sadd.s32 $0x10, s29;
	v18 =	vor.u32 s6, v0;
	v19 =	vor.u32 s7, v0;
	vm1 =	vge.s32 v16, v11;
	v20 =	vld [tilespmem:s5+$0xFFFFFFF0];
	s6 =	sadd.s32 $0x4, s30  }
0x14f: {  	vm2 =	vlt.s32 v16, v12;
	v16 =	vor.u32 s31, v0;
	vm3 =	vge.s32 v18, v11;
	p2 =	slt.s32 s6, s2  }
.Ltmp18:
0x150: {  	vm4 =	vge.s32 v19, v11;
	vm1 =	vmand vm1, vm2;
	vm2 =	vlt.s32 v18, v12;
	(pc) =	sbr.rel @!p2 .LBB2_35-.Ltmp18, $4  }
0x151: {  	vm5 =	vlt.s32 v16, v12;
	v15 =	vnsel vm1, $0xFF800000, v15;
	vm1 =	vge.s32 v16, v11  }
0x152: {  	vm2 =	vmand vm3, vm2;
	v18 =	vsub.f32 v15, v14;
	vm1 =	vmand vm1, vm5  }
0x153: {  	vm3 =	vlt.s32 v19, v12;
	v16 =	vnsel vm2, $0xFF800000, v17;
	v19 =	vnsel vm1, $0xFF800000, v20  }
0x154: {  	p1 =	por $0x0, $0x0;
	s7 =	sadd.s32 $0x40, s29;
	v15 =	vld [tilespmem:s5+$0x10];
	vm1 =	vmand vm4, vm3;
	v17 =	vmul.f32 $1.442695020e+00, v18;
	v18 =	vsub.f32 v19, v14  }
0x155: {  	_ =	sdelay $0x2  }
0x156: {  	v16 =	vsub.f32 v16, v14;
	s5 =	sadd.s32 $0x40, s5  }
0x157: {  	(erf) = vpow2.f32 v17;
	v17 =	vmul.f32 $1.442695020e+00, v18;
	v21 =	vld [tilespmem:s5+$0xFFFFFFE0];
	v15 =	vnsel vm1, $0xFF800000, v15  }
0x158: {  	v19 =	vor.u32 s7, v0;
	s13 =	sadd.s32 $0x20, s7;
	v15 =	vsub.f32 v15, v14  }
0x159: {  	v18 =	vor.u32 s13, v0;
	v16 =	vmul.f32 $1.442695020e+00, v16;
	(erf) = vpow2.f32 v17  }
0x15a: {  	s15 =	sadd.s32 $0x30, s7;
	vm2 =	vlt.s32 v19, v12;
	v22 =	vld [tilespmem:s5+$0xFFFFFFF0];
	vm1 =	vge.s32 v19, v11;
	v15 =	vmul.f32 $1.442695020e+00, v15  }
0x15b: {  	s6 =	sadd.s32 $0x4, s6;
	v20 =	vor.u32 s15, v0;
	v17 =	vld [tilespmem:s5+$0x0];
	(erf) = vpow2.f32 v16;
	vm1 =	vmand vm1, vm2  }
0x15c: {  	s31 =	sadd.s32 $0x10, s7;
	p2 =	slt.s32 s6, s2;
	vm3 =	vge.s32 v18, v11;
	(erf) = vpow2.f32 v15;
	v15 =	vnsel vm1, $0xFF800000, v21  }
.Ltmp19:
0x15d: {  	v19 =	vor.u32 s31, v0;
	vm2 =	vlt.s32 v18, v12;
	v18 =	vsub.f32 v15, v14;
	v15 =	vld [tilespmem:s5+$0x10];
	(pc) =	sbr.rel @!p2 .LBB2_38-.Ltmp19, $4  }
0x15e: {  	vm4 =	vge.s32 v20, v11;
	vm6 =	vlt.s32 v19, v12;
	vm1 =	vge.s32 v19, v11  }
0x15f: {  	vm5 =	vlt.s32 v20, v12;
	vm2 =	vmand vm3, vm2;
	vm1 =	vmand vm1, vm6  }
0x160: {  	v16 =	vnsel vm2, $0xFF800000, v17;
	v20 =	vpop (erf);
	v19 =	vnsel vm1, $0xFF800000, v22;
	vm1 =	vmand vm4, vm5  }
0x161: {  	s29 =	sadd.s32 $0x40, s7;
	p1 =	por $0x1, $0x1;
	v17 =	vmul.f32 $1.442695020e+00, v18;
	v18 =	vsub.f32 v19, v14;
	v19 =	vadd.f32 v20, v13  }
.LBB2_37:
0x162: {  	v20 =	vor.u32 s29, v0;
	v16 =	vsub.f32 v16, v14;
	v15 =	vnsel vm1, $0xFF800000, v15;
	v21 =	vpop (erf)  }
0x163: {  	s7 =	sadd.s32 $0x20, s29;
	s13 =	sadd.s32 $0x30, s29;
	v18 =	vmul.f32 $1.442695020e+00, v18;
	(erf) = vpow2.f32 v17;
	v17 =	vadd.f32 v21, v19  }
0x164: {  	s5 =	sadd.s32 $0x40, s5;
	v19 =	vor.u32 s7, v0;
	v21 =	vor.u32 s13, v0;
	v15 =	vsub.f32 v15, v14;
	v22 =	vpop (erf)  }
0x165: {  	s6 =	sadd.s32 $0x4, s6;
	s7 =	sadd.s32 $0x10, s29;
	v16 =	vmul.f32 $1.442695020e+00, v16;
	v23 =	vld [tilespmem:s5+$0xFFFFFFE0];
	(erf) = vpow2.f32 v18;
	v17 =	vadd.f32 v22, v17  }
0x166: {  	vm1 =	vge.s32 v20, v11;
	vm2 =	vlt.s32 v20, v12;
	p2 =	slt.s32 s6, s2;
	v18 =	vor.u32 s7, v0;
	v20 =	vld [tilespmem:s5+$0x0];
	v22 =	vpop (erf)  }
0x167: {  	v25 =	vmul.f32 $1.442695020e+00, v15;
	v24 =	vld [tilespmem:s5+$0xFFFFFFF0];
	(erf) = vpow2.f32 v16;
	v22 =	vadd.f32 v22, v17  }
0x168: {  	vm3 =	vge.s32 v19, v11;
	vm4 =	vge.s32 v21, v11;
	vm5 =	vlt.s32 v21, v12  }
.Ltmp20:
0x169: {  	vm1 =	vmand vm1, vm2;
	vm2 =	vlt.s32 v19, v12;
	v15 =	vld [tilespmem:s5+$0x10];
	(erf) = vpow2.f32 v25;
	(pc) =	sbr.rel @p2 .LBB2_37-.Ltmp20, $4  }
0x16a: {  	vm6 =	vlt.s32 v18, v12;
	v16 =	vnsel vm1, $0xFF800000, v23;
	vm1 =	vge.s32 v18, v11  }
0x16b: {  	vm2 =	vmand vm3, vm2;
	v17 =	vsub.f32 v16, v14;
	vm1 =	vmand vm1, vm6  }
0x16c: {  	v16 =	vnsel vm2, $0xFF800000, v20;
	v18 =	vnsel vm1, $0xFF800000, v24;
	vm1 =	vmand vm4, vm5;
	v19 =	vpop (erf)  }
0x16d: {  	s29 =	sadd.s32 $0x40, s29;
	v17 =	vmul.f32 $1.442695020e+00, v17;
	v18 =	vsub.f32 v18, v14;
	v19 =	vadd.f32 v19, v22  }
.LBB2_38:
0x16e: {  	v16 =	vsub.f32 v16, v14  }
0x16f: {  	v15 =	vnsel vm1, $0xFF800000, v15;
	v18 =	vmul.f32 $1.442695020e+00, v18;
	(erf) = vpow2.f32 v17  }
0x170: {  	v17 =	vpop @p1 (erf);
	v14 =	vsub.f32 v15, v14  }
0x171: {  	v15 =	vmul.f32 $1.442695020e+00, v16;
	v16 =	vadd.f32 @p1 v17, v19;
	(erf) = vpow2.f32 v18;
	_ =	sdelay $0x1  }
0x172: {  	v17 =	vpop @p1 (erf);
	v14 =	vmul.f32 $1.442695020e+00, v14;
	(erf) = vpow2.f32 v15  }
0x173: {  	v15 =	vadd.f32 @p1 v17, v16  }
0x174: {  	v16 =	vpop @p1 (erf);
	(erf) = vpow2.f32 v14  }
0x175: {  	v14 =	vadd.f32 @p1 v16, v15;
	_ =	sdelay $0x1  }
0x176: {  	v13 =	vpsel p1, v14, v13;
	v15 =	vpop (erf)  }
0x177: {  	v13 =	vadd.f32 v15, v13  }
0x178: {  	v14 =	vpop (erf)  }
.Ltmp21:
0x179: {  	v13 =	vadd.f32 v14, v13;
	(pc) =	sbr.rel .LBB2_18-.Ltmp21, $4  }
0x17a: {  	v14 =	vpop (erf)  }
0x17b: {  	v13 =	vadd.f32 v14, v13  }
0x17c: {  	v14 =	vpop (erf)  }
0x17d: {  	v13 =	vadd.f32 v14, v13  }
.LBB2_17:
0x17e: {  	v13 =	vimm.f32 $0.0e+00  }
.LBB2_18:
.Ltmp22:
0x17f: {  	(pc) =	sbr.rel @p0 .LBB2_21-.Ltmp22, $1  }
0x180: {  	_ =	sdelay $0x3  }
0x181: {  	s2 =	sshra.s32 s25, $0x2  }
0x182: {  	v14 =	vmov s9;
	s2 =	sadd.s32 $0x10180, s2  }
.LBB2_20:
0x183: {  	v15 =	vld [tilespmem:s2+$0x0];
	_ =	sdelay $0x1  }
0x184: {  	v16 =	vor.u32 s23, v0  }
0x185: {  	vm1 =	vge.s32 v16, v11;
	vm2 =	vlt.s32 v16, v12  }
0x186: {  	vm1 =	vmand vm1, vm2  }
0x187: {  	v15 =	vnsel vm1, $0xFF800000, v15  }
0x188: {  	v15 =	vsub.f32 v15, v14;
	_ =	sdelay $0x1  }
0x189: {  	v15 =	vmul.f32 $1.442695020e+00, v15;
	_ =	sdelay $0x1  }
0x18a: {  	(erf) = vpow2.f32 v15;
	_ =	sdelay $0x4  }
0x18b: {  	p0 =	sne.s32 s17, $0x1  }
.Ltmp23:
0x18c: {  	_ = 	snop;
	(pc) =	sbr.rel @p0 .LBB2_20-.Ltmp23, $3  }
0x18d: {  	_ =	sdelay $0x1  }
0x18e: {  	v15 =	vpop (erf)  }
0x18f: {  	s2 =	sadd.s32 $0x10, s2;
	s23 =	sadd.s32 $0x10, s23;
	s17 =	sadd.s32 $0xFFFFFFFF, s17;
	v13 =	vadd.f32 v15, v13  }
.Ltmp24:
0x190: {  	_ = 	snop;
	(pc) =	sbr.rel .LBB2_21-.Ltmp24, $1  }
0x191: {  	_ =	sdelay $0x3  }
.LBB2_35:
.Ltmp25:
0x192: {  	(pc) =	sbr.rel .LBB2_38-.Ltmp25, $2  }
0x193: {  	_ =	sdelay $0x2  }
0x194: {  	_ = 	snop  }
.LBB2_22:
0x195: {  	_ = 	snop  }
0x196: {  	v11 =	vmov s24  }
0x197: {  	v11 =	vadd.f32 $1.000000020e-16, v11;
	_ =	sdelay $0x1  }
0x198: {  	v11 =	vbroadcast v11, $0x0;
	_ =	sdelay $0x1  }
0x199: {  	(erf) = vrcp.f32 v11;
	_ =	sdelay $0x4  }
.Ltmp26:
0x19a: {  	_ = 	snop;
	(pc) =	sbr.rel .LBB2_23-.Ltmp26, $4  }
0x19b: {  	_ = 	snop  }
0x19c: {  	v13 =	vimm.f32 $0.0e+00;
	v15 =	vimm.f32 $0.0e+00;
	v14 =	vimm.f32 $0.0e+00  }
0x19d: {  	v17 =	vimm.f32 $0.0e+00;
	v16 =	vimm.f32 $0.0e+00;
	v18 =	vimm.f32 $0.0e+00  }
0x19e: {  	s22 =	simm.s32 $0x0;
	p0 =	sne.s32 s20, $0x1;
	s23 =	smov.u32 s4;
	v19 =	vimm.f32 $0.0e+00;
	v20 =	vimm.f32 $0.0e+00;
	v11 =	vmov s9;
	v12 =	vpop (erf)  }
.LBB2_47:
0x19f: {  	s22 =	sadd.s32 $0x1, s22  }
0x1a0: {  	p1 =	sne.s32 s22, s20  }
.Ltmp27:
0x1a1: {  	_ = 	snop;
	(pc) =	sbr.rel @!p1 .LBB2_48-.Ltmp27, $2  }
0x1a2: {  	_ =	sdelay $0x2  }
0x1a3: {  	s19 =	sadd.s32 $0xFFFFFE00, s19;
	s23 =	sadd.s32 $0x200, s23;
	s12 =	sadd.s32 $0x10000, s12  }
.LBB2_23:
0x1a4: {  	p1 =	slt.s32 s19, $0x200;
	s24 =	smov.u32 s19  }
0x1a5: {  	s0 =	sshll.u32 s22, $0x9;
	s25 =	smov.u32 s23;
	s24 =	simm.s32 @!p1 $0x200  }
.Ltmp28:
0x1a6: {  	s2 =	sadd.s32 s4, s0;
	p1 =	slt.s32 s23, $0x184A0;
	(pc) =	sbr.rel @!p0 .LBB2_28-.Ltmp28, $4  }
0x1a7: {  	p2 =	slt.s32 s2, $0x184A0;
	s0 =	smov.u32 s2;
	s26 =	ssub.s32 s18, s2  }
0x1a8: {  	s25 =	simm.s32 @!p1 $0x184A0;
	s0 =	simm.s32 @!p2 $0x184A0;
	p1 =	slt.s32 s26, $0x200  }
0x1a9: {  	s5 =	sshll.u32 s25, $0x9;
	s31 =	ssub.s32 s2, s0;
	s26 =	simm.s32 @!p1 $0x200  }
0x1aa: {  	s28 =	ssub.s32 $0x0, s25;
	s30 =	ssub.s32 $0x0, s5;
	s29 =	sadd.s32 s26, s31  }
0x1ab: {  	s0 =	sshll.u32 s0, $0x4  }
0x1ac: {  	s0 =	sand.u32 $0x1FFFFFF0, s0  }
0x1ad: {  	s21 =	sshra.s32 s26, $0x1F;
	s0 =	sadd.s32 s1, s0  }
0x1ae: {  	[tilespmem:s10], [sflag:$0x1] =	stream.linear.gather [hbm4b:s0+s3], $0x10000, $0x38;
	[tilespmem:$0x10B80] =	vst v63  }
0x1af: {  	s0 =	sshrl.u32 s21, $0x1D  }
0x1b0: {  	s0 =	sadd.s32 s0, s26  }
0x1b1: {  	s17 =	sand.u32 $0xFFFFFFF8, s0  }
0x1b2: {  	s2 =	sadd.s32 s31, s17  }
0x1b3: {  	p1 =	sge.s32 s31, s2  }
.Ltmp29:
0x1b4: {  	_ = 	snop;
	(pc) =	sbr.rel @p1 .LBB2_25-.Ltmp29, $4  }
0x1b5: {  	_ = 	snop  }
0x1b6: {  	_ =	swait.ge [sflag:s8], $0x10000  }
0x1b7: {  	[sflag:s8] =	ssyncset.done $0x0  }
0x1b8: {  	s9 =	smov.u32 s12;
	s0 =	smov.u32 s23;
	[sflag:s8] =	ssyncadd.s32 $0xFFFF0000  }
.LBB2_39:
0x1b9: {  	s5 =	sshra.s32 s30, $0x2  }
0x1ba: {  	s5 =	sadd.s32 s5, s9  }
0x1bb: {  	v21 =	vld [tilespmem:s5+$0xFFFFFC10]  }
0x1bc: {  	v22 =	vld [tilespmem:s5+$0xFFFFFC20]  }
0x1bd: {  	v23 =	vld [tilespmem:s5+$0xFFFFFC30]  }
0x1be: {  	v24 =	vld [tilespmem:s5+$0xFFFFFC40]  }
0x1bf: {  	v25 =	vld [tilespmem:s5+$0xFFFFFC50]  }
0x1c0: {  	v26 =	vld [tilespmem:s5+$0xFFFFFC60]  }
0x1c1: {  	v27 =	vld [tilespmem:s5+$0xFFFFFC70]  }
0x1c2: {  	v28 =	vld [tilespmem:s5+$0xFFFFFC80]  }
0x1c3: {  	v29 =	vld [tilespmem:s5+$0xFFFFFC90]  }
0x1c4: {  	v30 =	vld [tilespmem:s5+$0xFFFFFCA0]  }
0x1c5: {  	v31 =	vld [tilespmem:s5+$0xFFFFFCB0]  }
0x1c6: {  	v32 =	vld [tilespmem:s5+$0xFFFFFCC0]  }
0x1c7: {  	v33 =	vld [tilespmem:s5+$0xFFFFFCD0]  }
0x1c8: {  	v34 =	vld [tilespmem:s5+$0xFFFFFCE0]  }
0x1c9: {  	v35 =	vld [tilespmem:s5+$0xFFFFFCF0]  }
0x1ca: {  	v36 =	vld [tilespmem:s5+$0xFFFFFD00]  }
0x1cb: {  	v37 =	vld [tilespmem:s5+$0xFFFFFD10]  }
0x1cc: {  	v38 =	vld [tilespmem:s5+$0xFFFFFD20]  }
0x1cd: {  	v39 =	vld [tilespmem:s5+$0xFFFFFD30]  }
0x1ce: {  	v40 =	vld [tilespmem:s5+$0xFFFFFD40]  }
0x1cf: {  	v41 =	vld [tilespmem:s5+$0xFFFFFD50]  }
0x1d0: {  	v42 =	vld [tilespmem:s5+$0xFFFFFD60]  }
0x1d1: {  	v43 =	vld [tilespmem:s5+$0xFFFFFD70]  }
0x1d2: {  	v44 =	vld [tilespmem:s5+$0xFFFFFD80]  }
0x1d3: {  	v45 =	vld [tilespmem:s5+$0xFFFFFD90]  }
0x1d4: {  	v46 =	vld [tilespmem:s5+$0xFFFFFDA0]  }
0x1d5: {  	v47 =	vld [tilespmem:s5+$0xFFFFFDB0];
	v21 =	vmul.f32 v21, v1  }
0x1d6: {  	v48 =	vld [tilespmem:s5+$0xFFFFFDC0];
	v22 =	vmul.f32 v22, v2;
	v29 =	vmul.f32 v29, v1  }
0x1d7: {  	v49 =	vld [tilespmem:s5+$0xFFFFFDD0];
	v30 =	vmul.f32 v30, v2;
	v52 =	vmul.f32 v31, v3  }
0x1d8: {  	v63 =	vld [tilespmem:s5+$0xFFFFFE90];
	v53 =	vmul.f32 v32, v4;
	v54 =	vmul.f32 v33, v5  }
0x1d9: {  	v51 =	vld [tilespmem:s5+$0xFFFFFEA0];
	v55 =	vmul.f32 v27, v7;
	v56 =	vmul.f32 v34, v6  }
0x1da: {  	v31 =	vld [tilespmem:s5+$0xFFFFFDF0];
	v57 =	vmul.f32 v35, v7;
	v58 =	vmul.f32 v38, v2  }
0x1db: {  	v32 =	vld [tilespmem:s5+$0xFFFFFE10];
	v59 =	vmul.f32 v45, v1;
	v60 =	vmul.f32 v46, v2  }
0x1dc: {  	v33 =	vld [tilespmem:s5+$0xFFFFFE30];
	v61 =	vmul.f32 v39, v3;
	v21 =	vadd.f32 v22, v21;
	v22 =	vmul.f32 v23, v3  }
0x1dd: {  	v27 =	vld [tilespmem:s5+$0xFFFFFE40];
	v62 =	vmul.f32 v47, v3;
	v28 =	vmul.f32 v28, v8  }
0x1de: {  	v50 =	vmul.f32 v40, v4;
	v47 =	vld [tilespmem:s5+$0xFFFFFF20];
	v21 =	vadd.f32 v22, v21;
	v22 =	vmul.f32 v24, v4  }
0x1df: {  	v38 =	vld [tilespmem:s5+$0xFFFFFE60];
	v36 =	vmul.f32 v36, v8;
	v29 =	vadd.f32 v30, v29;
	v30 =	vadd.f32 v60, v59  }
0x1e0: {  	v46 =	vld [tilespmem:s5+$0xFFFFFE70];
	v60 =	vmul.f32 v63, v1;
	v21 =	vadd.f32 v22, v21;
	v22 =	vmul.f32 v25, v5  }
0x1e1: {  	v34 =	vld [tilespmem:s5+$0xFFFFFEF0];
	v29 =	vadd.f32 v52, v29;
	v52 =	vmul.f32 v48, v4;
	v31 =	vmul.f32 v31, v7  }
0x1e2: {  	v23 =	vld [tilespmem:s5+$0xFFFFFDE0];
	v59 =	vmul.f32 v32, v1;
	v21 =	vadd.f32 v22, v21;
	v22 =	vmul.f32 v26, v6  }
0x1e3: {  	v24 =	vld [tilespmem:s5+$0xFFFFFE00];
	v63 =	vmul.f32 v33, v3;
	v33 =	vmul.f32 v47, v2  }
0x1e4: {  	v25 =	vld [tilespmem:s5+$0xFFFFFE20];
	v29 =	vadd.f32 v53, v29;
	v21 =	vadd.f32 v22, v21;
	v22 =	vmul.f32 v37, v1  }
0x1e5: {  	v30 =	vadd.f32 v62, v30;
	v38 =	vmul.f32 v38, v6;
	v47 =	vmul.f32 v46, v7;
	v53 =	vld [tilespmem:s5+$0xFFFFFEB0]  }
0x1e6: {  	v35 =	vld [tilespmem:s5+$0xFFFFFE50];
	v34 =	vmul.f32 v34, v7;
	v29 =	vadd.f32 v54, v29;
	v22 =	vadd.f32 v58, v22  }
0x1e7: {  	v45 =	vld [tilespmem:s5+$0xFFFFFF70];
	v30 =	vadd.f32 v52, v30;
	v23 =	vmul.f32 v23, v6;
	v54 =	vmul.f32 v41, v5  }
0x1e8: {  	v62 =	vld [tilespmem:s5+$0xFFFFFF10];
	v24 =	vmul.f32 v24, v8;
	v29 =	vadd.f32 v56, v29;
	v22 =	vadd.f32 v61, v22  }
0x1e9: {  	v52 =	vld [tilespmem:s5+$0xFFFFFFA0];
	v56 =	vmul.f32 v49, v5;
	v25 =	vmul.f32 v25, v2;
	v21 =	vadd.f32 v55, v21  }
0x1ea: {  	v49 =	vld [tilespmem:s5+$0xFFFFFF90];
	v48 =	vmul.f32 v53, v3;
	v29 =	vadd.f32 v57, v29;
	v22 =	vadd.f32 v50, v22  }
0x1eb: {  	v37 =	vld [tilespmem:s5+$0xFFFFFE80];
	v57 =	vmul.f32 v42, v6;
	v30 =	vadd.f32 v56, v30;
	v25 =	vadd.f32 v25, v59  }
0x1ec: {  	v55 =	vld [tilespmem:s5+$0xFFFFFEC0];
	v58 =	vmul.f32 v43, v7;
	v21 =	vadd.f32 v28, v21;
	v22 =	vadd.f32 v54, v22  }
0x1ed: {  	v53 =	vld [tilespmem:s5+$0xFFFFFF30];
	v59 =	vmul.f32 v62, v1;
	v29 =	vadd.f32 v36, v29;
	v23 =	vadd.f32 v23, v30  }
0x1ee: {  	v42 =	vld [tilespmem:s5+$0xFFFFFEE0];
	v61 =	vmul.f32 v51, v2;
	v51 =	vmul.f32 v27, v4;
	v22 =	vadd.f32 v57, v22  }
0x1ef: {  	v36 =	vld [tilespmem:s5+$0xFFFFFED0];
	v27 =	vmul.f32 v52, v2;
	v25 =	vadd.f32 v63, v25;
	v39 =	vmul.f32 v49, v1  }
0x1f0: {  	v26 =	vadd.f32 v33, v59;
	v52 =	vmul.f32 v37, v8;
	v22 =	vadd.f32 v58, v22;
	v58 =	vld [tilespmem:s5+$0xFFFFFF40]  }
0x1f1: {  	v30 =	vadd.f32 v61, v60;
	v50 =	vmul.f32 v44, v8;
	v28 =	vmul.f32 v55, v4;
	v55 =	vld [tilespmem:s5+$0xFFFFFFB0]  }
0x1f2: {  	v23 =	vadd.f32 v31, v23;
	v61 =	vld [tilespmem:s5+$0xFFFFFF50];
	v31 =	vmul.f32 v53, v3;
	v53 =	vmul.f32 v45, v7  }
0x1f3: {  	v60 =	vld [tilespmem:s5+$0xFFFFFFC0];
	v25 =	vadd.f32 v51, v25;
	v63 =	vmul.f32 v42, v6;
	v30 =	vadd.f32 v48, v30  }
0x1f4: {  	v43 =	vld [tilespmem:s5+$0xFFFFFF60];
	v27 =	vadd.f32 v27, v39;
	v54 =	vmul.f32 v35, v5;
	v26 =	vadd.f32 v31, v26  }
0x1f5: {  	v62 =	vld [tilespmem:s5+$0xFFFFFFD0];
	v56 =	vadd.f32 v28, v30;
	v57 =	vmul.f32 v36, v5;
	v30 =	vmul.f32 v58, v4  }
0x1f6: {  	v32 =	vld [tilespmem:s5+$0xFFFFFF00];
	v23 =	vadd.f32 v24, v23;
	v25 =	vadd.f32 v54, v25;
	v35 =	vmul.f32 v55, v3  }
0x1f7: {  	v44 =	vld [tilespmem:s5+$0xFFFFFFE0];
	v28 =	vmul.f32 v61, v5;
	v24 =	vadd.f32 v57, v56;
	v26 =	vadd.f32 v30, v26  }
0x1f8: {  	v49 =	vld [tilespmem:s5+$0xFFFFFF80];
	v36 =	vmul.f32 v60, v4;
	v25 =	vadd.f32 v38, v25;
	v27 =	vadd.f32 v35, v27  }
0x1f9: {  	v48 =	vld [tilespmem:s5+$0xFFFFFFF0];
	v22 =	vadd.f32 v50, v22;
	v50 =	vmul.f32 v43, v6;
	v26 =	vadd.f32 v28, v26  }
0x1fa: {  	v33 =	vmul.f32 v62, v5;
	v24 =	vadd.f32 v63, v24;
	v27 =	vadd.f32 v36, v27  }
0x1fb: {  	(xrf2) =	vadd.scan.msk.f32 $0xffff, v21;
	v51 =	vld [tilespmem:s5+$0x0];
	v54 =	vmul.f32 v32, v8;
	v25 =	vadd.f32 v47, v25;
	v21 =	vadd.f32 v50, v26  }
0x1fc: {  	(xrf2) =	vadd.scan.msk.f32 $0xffff, v29;
	v31 =	vmul.f32 v44, v6;
	v24 =	vadd.f32 v34, v24;
	v27 =	vadd.f32 v33, v27  }
0x1fd: {  	v55 =	vmul.f32 v49, v8;
	(xrf2) =	vadd.scan.msk.f32 $0xffff, v22;
	v22 =	vadd.f32 v52, v25;
	v21 =	vadd.f32 v53, v21  }
0x1fe: {  	(xrf2) =	vadd.scan.msk.f32 $0xffff, v23;
	v23 =	vadd.f32 v54, v24;
	v30 =	vmul.f32 v48, v7;
	v27 =	vadd.f32 v31, v27  }
0x1ff: {  	(xrf2) =	vadd.scan.msk.f32 $0xffff, v22;
	v21 =	vadd.f32 v55, v21  }
0x200: {  	v57 =	vmul.f32 v51, v8;
	(xrf2) =	vadd.scan.msk.f32 $0xffff, v23;
	v56 =	vadd.f32 v30, v27  }
0x201: {  	(xrf2) =	vadd.scan.msk.f32 $0xffff, v21  }
0x202: {  	v22 =	vadd.f32 v57, v56;
	_ =	sdelay $0x2  }
0x203: {  	v21, _, _ =	vpop (xrf2)  }
0x204: {  	(xrf2) =	vadd.scan.msk.f32 $0xffff, v22;
	v22, _, _ =	vpop (xrf2);
	(v2sf) =	vpush v21, $0xF  }
0x205: {  	v21, _, _ =	vpop (xrf2);
	(v2sf) =	vpush v22, $0xF  }
0x206: {  	v22, _, _ =	vpop (xrf2);
	(v2sf) =	vpush v21, $0xF  }
0x207: {  	v21, _, _ =	vpop (xrf2);
	(v2sf) =	vpush v22, $0xF  }
0x208: {  	v22, _, _ =	vpop (xrf2);
	(v2sf) =	vpush v21, $0xF  }
0x209: {  	(v2sf) =	vpush v22, $0xF;
	v21, _, _ =	vpop (xrf2)  }
0x20a: {  	(v2sf) =	vpush v21, $0xF;
	_ =	sdelay $0x3  }
0x20b: {  	v21, _, _ =	vpop (xrf2)  }
0x20c: {  	(v2sf) =	vpush v21, $0xF;
	_ =	sdelay $0x1  }
0x20d: {  	s5 =	sadd.s32 s0, s28  }
0x20e: {  	s6 =	sadd.s32 $0x1, s5;
	v21 =	vmov s5  }
0x20f: {  	s15 =	sadd.s32 $0x2, s5;
	v22 =	vmov s6;
	s7 =	spop (v2sf)  }
0x210: {  	s21 =	sadd.s32 $0x3, s5;
	v23 =	vmov s15;
	s13 =	spop (v2sf);
	s7 =	sadd.f32 s7, s14  }
0x211: {  	v58 =	vmov s21;
	s21 =	sadd.s32 $0x4, s5;
	s15 =	spop (v2sf);
	s13 =	sadd.f32 s13, s14  }
0x212: {  	v60 =	vmov s21;
	s21 =	sadd.s32 $0x5, s5;
	v59 =	vmov s7;
	s7 =	spop (v2sf);
	s15 =	sadd.f32 s15, s14  }
0x213: {  	v61 =	vmov s13;
	s13 =	spop (v2sf);
	[tilespmem:v21+s11+$0x0] =	vst.idx.msk $0x1, v59;
	s7 =	sadd.f32 s7, s14;
	v21 =	vmov s21;
	s21 =	sadd.s32 $0x6, s5  }
0x214: {  	v62 =	vmov s15;
	[tilespmem:v22+s11+$0x0] =	vst.idx.msk $0x1, v61;
	v22 =	vmov s21;
	s21 =	spop (v2sf);
	s13 =	sadd.f32 s13, s14  }
0x215: {  	[tilespmem:v23+s11+$0x0] =	vst.idx.msk $0x1, v62;
	v23 =	vmov s7;
	s6 =	sadd.f32 s21, s14;
	s15 =	spop (v2sf)  }
0x216: {  	[tilespmem:v58+s11+$0x0] =	vst.idx.msk $0x1, v23;
	v23 =	vmov s13;
	s21 =	sadd.f32 s15, s14  }
0x217: {  	s0 =	sadd.s32 $0x8, s0;
	[tilespmem:v60+s11+$0x0] =	vst.idx.msk $0x1, v23;
	v23 =	vmov s6  }
0x218: {  	s5 =	sadd.s32 $0x7, s5;
	[tilespmem:v21+s11+$0x0] =	vst.idx.msk $0x1, v23;
	v21 =	vmov s21;
	s21 =	sadd.s32 s0, s28  }
0x219: {  	v63 =	vmov s5;
	p1 =	slt.s32 s21, s2  }
.Ltmp30:
0x21a: {  	s13 =	spop (v2sf);
	(pc) =	sbr.rel @p1 .LBB2_39-.Ltmp30, $3  }
0x21b: {  	s15 =	sadd.f32 s13, s14;
	_ =	sdelay $0x1  }
0x21c: {  	[tilespmem:v22+s11+$0x0] =	vst.idx.msk $0x1, v21;
	v21 =	vmov s15  }
0x21d: {  	s9 =	sadd.s32 $0x400, s9;
	[tilespmem:v63+s11+$0x0] =	vst.idx.msk $0x1, v21  }
.LBB2_25:
0x21e: {  	p1 =	sge.s32 s2, s29  }
.Ltmp31:
0x21f: {  	_ = 	snop;
	(pc) =	sbr.rel @p1 .LBB2_28-.Ltmp31, $1  }
0x220: {  	_ =	sdelay $0x3  }
0x221: {  	s0 =	ssub.s32 s26, s17;
	s5 =	sadd.s32 s23, s24  }
0x222: {  	s5 =	ssub.s32 s5, s0  }
0x223: {  	s5 =	ssub.s32 s5, s25  }
0x224: {  	s5 =	sshll.u32 s5, $0x9  }
0x225: {  	s5 =	sshra.s32 s5, $0x2  }
0x226: {  	s5 =	sadd.s32 $0x1C0, s5  }
.LBB2_27:
0x227: {  	v21 =	vld [tilespmem:s5+$0xFFFFFFC0]  }
0x228: {  	v22 =	vld [tilespmem:s5+$0xFFFFFFD0];
	_ =	sdelay $0x1  }
0x229: {  	v23 =	vld [tilespmem:s5+$0xFFFFFFE0];
	_ =	sdelay $0x1  }
0x22a: {  	v24 =	vld [tilespmem:s5+$0xFFFFFFF0]  }
0x22b: {  	v21 =	vmul.f32 v21, v1;
	v22 =	vmul.f32 v22, v2  }
0x22c: {  	v25 =	vld [tilespmem:s5+$0x0]  }
0x22d: {  	v21 =	vadd.f32 v22, v21;
	v22 =	vmul.f32 v23, v3  }
0x22e: {  	v23 =	vld [tilespmem:s5+$0x10]  }
0x22f: {  	v21 =	vadd.f32 v22, v21;
	v22 =	vmul.f32 v24, v4  }
0x230: {  	v62 =	vld [tilespmem:s5+$0x20]  }
0x231: {  	v21 =	vadd.f32 v22, v21;
	v22 =	vmul.f32 v25, v5  }
0x232: {  	v63 =	vld [tilespmem:s5+$0x30]  }
0x233: {  	v21 =	vadd.f32 v22, v21;
	v22 =	vmul.f32 v23, v6;
	_ =	sdelay $0x1  }
0x234: {  	v21 =	vadd.f32 v22, v21;
	v22 =	vmul.f32 v62, v7;
	_ =	sdelay $0x1  }
0x235: {  	v21 =	vadd.f32 v22, v21;
	v22 =	vmul.f32 v63, v8;
	_ =	sdelay $0x1  }
0x236: {  	v21 =	vadd.f32 v22, v21;
	_ =	sdelay $0x1  }
0x237: {  	(xrf2) =	vadd.scan.msk.f32 $0xffff, v21;
	_ =	sdelay $0x9  }
0x238: {  	v21, _, _ =	vpop (xrf2)  }
0x239: {  	(v2sf) =	vpush v21, $0xF;
	_ =	sdelay $0xd  }
0x23a: {  	p1 =	sne.s32 s0, $0x1;
	v21 =	vmov s2  }
.Ltmp32:
0x23b: {  	s6 =	spop (v2sf);
	(pc) =	sbr.rel @p1 .LBB2_27-.Ltmp32, $3  }
0x23c: {  	s6 =	sadd.f32 s6, s14;
	_ =	sdelay $0x1  }
0x23d: {  	v22 =	vmov s6  }
0x23e: {  	s0 =	sadd.s32 $0xFFFFFFFF, s0;
	s5 =	sadd.s32 $0x80, s5;
	s2 =	sadd.s32 $0x1, s2;
	[tilespmem:v21+s11+$0x0] =	vst.idx.msk $0x1, v22  }
.LBB2_28:
0x23f: {  	s0 =	sshra.s32 s31, $0x1F;
	s2 =	sand.u32 $0xF, s31  }
0x240: {  	s5 =	sadd.s32 $0xF, s29;
	p1 =	slt.s32 s31, $0x1;
	s6 =	simm.s32 $0x1  }
0x241: {  	s0 =	sshrl.u32 s0, $0x1C;
	p2 =	sne.s32 s2, $0x0;
	s15 =	sand.u32 $0xF, s5  }
0x242: {  	p6 =	slt.s32 s5, $0x1;
	s17 =	sshra.s32 s5, $0x1F;
	s0 =	sadd.s32 s0, s31  }
0x243: {  	p1 =	por !p1, !p2;
	p3 =	sne.s32 s15, $0x0;
	s2 =	sshrl.u32 s17, $0x1C  }
0x244: {  	p2 =	por !p6, !p3;
	s0 =	sshra.s32 s0, $0x4;
	p1 =	por !p1, !p1  }
0x245: {  	s2 =	sadd.s32 s2, s5;
	s5 =	simm.s32 $0x1;
	p2 =	por !p2, !p2  }
0x246: {  	s6 =	simm.s32 @!p1 $0x0;
	s2 =	sshra.s32 s2, $0x4;
	s5 =	simm.s32 @!p2 $0x0  }
0x247: {  	s6 =	ssub.s32 s0, s6;
	s9 =	ssub.s32 s2, s5  }
0x248: {  	s0 =	ssub.s32 s9, s6  }
0x249: {  	s21 =	sshrl.u32 s0, $0x1E  }
0x24a: {  	s2 =	sadd.s32 s21, s0  }
0x24b: {  	s2 =	sand.u32 $0xFFFFFFFC, s2  }
0x24c: {  	p1 =	slt.s32 s2, $0x1  }
.Ltmp33:
0x24d: {  	_ = 	snop;
	(pc) =	sbr.rel @p1 .LBB2_40-.Ltmp33, $2  }
0x24e: {  	_ =	sdelay $0x2  }
0x24f: {  	s17 =	sadd.s32 s6, s2  }
0x250: {  	s5 =	sshll.u32 s6, $0x6  }
0x251: {  	s5 =	sshra.s32 s5, $0x2  }
0x252: {  	s5 =	sadd.s32 $0x101A0, s5  }
0x253: {  	s7 =	sadd.s32 $0x4, s6;
	v23 =	vld [tilespmem:s5+$0x10]  }
0x254: {  	p3 =	slt.s32 s7, s17;
	v25 =	vld [tilespmem:s5+$0xFFFFFFF0]  }
.Ltmp34:
0x255: {  	_ = 	snop;
	(pc) =	sbr.rel @!p3 .LBB2_30-.Ltmp34, $3  }
0x256: {  	_ =	sdelay $0x1  }
0x257: {  	v22 =	vld [tilespmem:s5+$0x0]  }
0x258: {  	p1 =	por $0x0, $0x0;
	p2 =	por $0x0, $0x0;
	v21 =	vld [tilespmem:s5+$0xFFFFFFE0];
	s6 =	sadd.s32 $0x40, s5;
	v24 =	vsub.f32 v23, v11;
	v23 =	vsub.f32 v25, v11  }
0x259: {  	_ =	sdelay $0x2  }
0x25a: {  	v24 =	vmul.f32 $1.442695020e+00, v24;
	v22 =	vsub.f32 v22, v11  }
0x25b: {  	v23 =	vmul.f32 $1.442695020e+00, v23;
	v21 =	vsub.f32 v21, v11  }
0x25c: {  	(erf) = vpow2.f32 v24;
	v27 =	vmul.f32 $1.442695020e+00, v22  }
0x25d: {  	(erf) = vpow2.f32 v23;
	v28 =	vmul.f32 $1.442695020e+00, v21  }
0x25e: {  	(erf) = vpow2.f32 v27  }
0x25f: {  	(erf) = vpow2.f32 v28;
	_ =	sdelay $0x1  }
0x260: {  	v25 =	vld [tilespmem:s6+$0x10];
	s7 =	sadd.s32 $0x4, s7  }
0x261: {  	v26 =	vld [tilespmem:s6+$0xFFFFFFF0];
	p3 =	slt.s32 s7, s17  }
.Ltmp35:
0x262: {  	_ = 	snop;
	(pc) =	sbr.rel @!p3 .LBB2_52-.Ltmp35, $3  }
0x263: {  	_ =	sdelay $0x1  }
0x264: {  	v22 =	vld [tilespmem:s6+$0x0]  }
0x265: {  	s21 =	sadd.s32 $0x40, s6;
	p1 =	por $0x1, $0x1;
	v24 =	vsub.f32 v25, v11;
	v23 =	vsub.f32 v26, v11;
	v21 =	vld [tilespmem:s6+$0xFFFFFFE0]  }
0x266: {  	_ =	sdelay $0x2  }
0x267: {  	v24 =	vmul.f32 $1.442695020e+00, v24;
	v22 =	vsub.f32 v22, v11  }
0x268: {  	v23 =	vmul.f32 $1.442695020e+00, v23;
	v21 =	vsub.f32 v21, v11  }
0x269: {  	v25 =	vld [tilespmem:s21+$0x10];
	s7 =	sadd.s32 $0x4, s7;
	(erf) = vpow2.f32 v24;
	v22 =	vmul.f32 $1.442695020e+00, v22  }
0x26a: {  	v26 =	vld [tilespmem:s21+$0xFFFFFFF0];
	p3 =	slt.s32 s7, s17;
	(erf) = vpow2.f32 v23;
	v21 =	vmul.f32 $1.442695020e+00, v21  }
.Ltmp36:
0x26b: {  	(erf) = vpow2.f32 v22;
	v22 =	vld [tilespmem:s21+$0x0];
	(pc) =	sbr.rel @!p3 .LBB2_54-.Ltmp36, $4  }
0x26c: {  	(erf) = vpow2.f32 v21;
	v21 =	vld [tilespmem:s21+$0xFFFFFFE0]  }
0x26d: {  	v23 =	vpop (erf)  }
0x26e: {  	v24 =	vsub.f32 v25, v11;
	v27 =	vpop (erf);
	v25 =	vmul.f32 v23, v12  }
0x26f: {  	s13 =	sadd.s32 $0x40, s21;
	p2 =	por $0x1, $0x1;
	v23 =	vsub.f32 v26, v11;
	v26 =	vmul.f32 v27, v12;
	v27 =	vpop (erf)  }
.LBB2_55:
0x270: {  	v28 =	vld [tilespmem:s13+$0x10];
	s7 =	sadd.s32 $0x4, s7;
	v29 =	vsub.f32 v22, v11;
	v24 =	vmul.f32 $1.442695020e+00, v24;
	v27 =	vmul.f32 v27, v12;
	[tilespmem:s5+$0x10] =	vst v25;
	v22 =	vpop (erf)  }
0x271: {  	v30 =	vld [tilespmem:s13+$0xFFFFFFF0];
	p3 =	slt.s32 s7, s17;
	v25 =	vsub.f32 v21, v11;
	v32 =	vmul.f32 $1.442695020e+00, v23;
	v31 =	vmul.f32 v22, v12;
	[tilespmem:s5+$0xFFFFFFF0] =	vst v26  }
.Ltmp37:
0x272: {  	v22 =	vld [tilespmem:s13+$0x0];
	v29 =	vmul.f32 $1.442695020e+00, v29;
	(erf) = vpow2.f32 v24;
	[tilespmem:s5+$0x0] =	vst v27;
	(pc) =	sbr.rel @p3 .LBB2_55-.Ltmp37, $4  }
0x273: {  	v21 =	vld [tilespmem:s13+$0xFFFFFFE0];
	v25 =	vmul.f32 $1.442695020e+00, v25;
	(erf) = vpow2.f32 v32;
	[tilespmem:s5+$0xFFFFFFE0] =	vst v31;
	s5 =	smov.u32 s6;
	s6 =	smov.u32 s21;
	s21 =	smov.u32 s13  }
0x274: {  	(erf) = vpow2.f32 v29;
	v23 =	vpop (erf)  }
0x275: {  	v24 =	vsub.f32 v28, v11;
	(erf) = vpow2.f32 v25;
	v25 =	vmul.f32 v23, v12;
	v26 =	vpop (erf)  }
0x276: {  	s13 =	sadd.s32 $0x40, s13;
	v23 =	vsub.f32 v30, v11;
	v26 =	vmul.f32 v26, v12;
	v27 =	vpop (erf)  }
0x277: {  	s7 =	smov.u32 s5;
	s13 =	smov.u32 s6;
	s5 =	smov.u32 s21  }
.LBB2_57:
0x278: {  	v22 =	vsub.f32 v22, v11  }
0x279: {  	v21 =	vsub.f32 v21, v11  }
0x27a: {  	v24 =	vmul.f32 $1.442695020e+00, v24;
	v22 =	vmul.f32 $1.442695020e+00, v22  }
0x27b: {  	v23 =	vmul.f32 $1.442695020e+00, v23;
	v21 =	vmul.f32 $1.442695020e+00, v21  }
0x27c: {  	(erf) = vpow2.f32 v24  }
0x27d: {  	(erf) = vpow2.f32 v23  }
0x27e: {  	(erf) = vpow2.f32 v22;
	v22 =	vpop @p2 (erf)  }
0x27f: {  	v23 =	vmul.f32 @p2 v27, v12;
	(erf) = vpow2.f32 v21;
	v21 =	vpop @p1 (erf)  }
0x280: {  	v21 =	vmul.f32 @p1 v21, v12;
	v24 =	vpop @p1 (erf)  }
0x281: {  	[tilespmem:s7+$0x0] =	vst @p2 v23;
	v23 =	vmul.f32 @p1 v24, v12  }
0x282: {  	v22 =	vmul.f32 @p2 v22, v12;
	v21 =	vpsel p1, v21, v0  }
0x283: {  	s6 =	smov.u32 @p1 s13;
	v24 =	vpop @p1 (erf);
	v23 =	vpsel p1, v23, v0  }
0x284: {  	s6 =	smov.u32 @p1 s6;
	[tilespmem:s7+$0xFFFFFFE0] =	vst @p2 v22;
	v22 =	vpsel p1, v24, v0  }
0x285: {  	v22 =	vmul.f32 @p1 v22, v12;
	[tilespmem:s6+$0x10] =	vst @p1 v21;
	v21 =	vpop @p1 (erf)  }
0x286: {  	[tilespmem:s6+$0xFFFFFFF0] =	vst @p1 v23;
	v23 =	vpop (erf)  }
0x287: {  	[tilespmem:s6+$0x0] =	vst @p1 v22;
	v22 =	vmul.f32 v23, v12  }
0x288: {  	[tilespmem:s7+$0x10] =	vst @p2 v25;
	v21 =	vmul.f32 @p1 v21, v12  }
0x289: {  	[tilespmem:s7+$0xFFFFFFF0] =	vst @p2 v26;
	v23 =	vpop (erf)  }
0x28a: {  	[tilespmem:s6+$0xFFFFFFE0] =	vst @p1 v21;
	v21 =	vmul.f32 v23, v12;
	v23 =	vpop (erf)  }
0x28b: {  	v23 =	vmul.f32 v23, v12;
	[tilespmem:s5+$0x10] =	vst v22;
	v22 =	vpop (erf)  }
0x28c: {  	[tilespmem:s5+$0xFFFFFFF0] =	vst v21;
	v22 =	vmul.f32 v22, v12  }
0x28d: {  	[tilespmem:s5+$0x0] =	vst v23  }
0x28e: {  	[tilespmem:s5+$0xFFFFFFE0] =	vst v22  }
.LBB2_40:
0x28f: {  	p1 =	sge.s32 s17, s9  }
.Ltmp38:
0x290: {  	_ = 	snop;
	(pc) =	sbr.rel @p1 .LBB2_43-.Ltmp38, $1  }
0x291: {  	_ =	sdelay $0x3  }
0x292: {  	s5 =	sshll.u32 s17, $0x6  }
0x293: {  	s5 =	sshra.s32 s5, $0x2  }
0x294: {  	s0 =	ssub.s32 s0, s2;
	s2 =	sadd.s32 $0x10180, s5  }
.LBB2_42:
0x295: {  	v21 =	vld [tilespmem:s2+$0x0];
	_ =	sdelay $0x4  }
0x296: {  	v21 =	vsub.f32 v21, v11;
	_ =	sdelay $0x1  }
0x297: {  	v21 =	vmul.f32 $1.442695020e+00, v21;
	_ =	sdelay $0x1  }
0x298: {  	(erf) = vpow2.f32 v21;
	_ =	sdelay $0x6  }
0x299: {  	p1 =	sne.s32 s0, $0x1  }
.Ltmp39:
0x29a: {  	_ = 	snop;
	(pc) =	sbr.rel @p1 .LBB2_42-.Ltmp39, $3  }
0x29b: {  	v21 =	vpop (erf)  }
0x29c: {  	v21 =	vmul.f32 v21, v12;
	_ =	sdelay $0x1  }
0x29d: {  	s0 =	sadd.s32 $0xFFFFFFFF, s0;
	[tilespmem:s2+$0x0] =	vst v21;
	s2 =	sadd.s32 $0x10, s2  }
.LBB2_43:
0x29e: {  	s0 =	sshra.s32 s26, $0x1F  }
0x29f: {  	s0 =	sshrl.u32 s0, $0x1D  }
0x2a0: {  	s0 =	sadd.s32 s0, s26  }
0x2a1: {  	s0 =	sand.u32 $0xFFFFFFF8, s0  }
0x2a2: {  	s2 =	sadd.s32 s31, s0  }
0x2a3: {  	p1 =	sge.s32 s31, s2  }
.Ltmp40:
0x2a4: {  	_ = 	snop;
	(pc) =	sbr.rel @p1 .LBB2_44-.Ltmp40, $2  }
0x2a5: {  	_ =	sdelay $0x2  }
0x2a6: {  	s9 =	smov.u32 s12;
	s17 =	smov.u32 s23  }
.LBB2_58:
0x2a7: {  	s6 =	sshra.s32 s30, $0x2  }
0x2a8: {  	s21 =	sadd.s32 s6, s9  }
0x2a9: {  	v22 =	vld [tilespmem:s21+$0xFFFFFC10]  }
0x2aa: {  	v23 =	vld [tilespmem:s21+$0xFFFFFC20]  }
0x2ab: {  	v24 =	vld [tilespmem:s21+$0xFFFFFC30]  }
0x2ac: {  	v25 =	vld [tilespmem:s21+$0xFFFFFC40]  }
0x2ad: {  	v27 =	vld [tilespmem:s21+$0xFFFFFC50]  }
0x2ae: {  	v28 =	vld [tilespmem:s21+$0xFFFFFC60]  }
0x2af: {  	v29 =	vld [tilespmem:s21+$0xFFFFFC70]  }
0x2b0: {  	v30 =	vld [tilespmem:s21+$0xFFFFFC80]  }
0x2b1: {  	v31 =	vld [tilespmem:s21+$0xFFFFFC90]  }
0x2b2: {  	v32 =	vld [tilespmem:s21+$0xFFFFFCA0]  }
0x2b3: {  	v33 =	vld [tilespmem:s21+$0xFFFFFCB0]  }
0x2b4: {  	v34 =	vld [tilespmem:s21+$0xFFFFFCC0]  }
0x2b5: {  	v36 =	vld [tilespmem:s21+$0xFFFFFCD0]  }
0x2b6: {  	v37 =	vld [tilespmem:s21+$0xFFFFFCE0]  }
0x2b7: {  	v38 =	vld [tilespmem:s21+$0xFFFFFCF0]  }
0x2b8: {  	v39 =	vld [tilespmem:s21+$0xFFFFFD00]  }
0x2b9: {  	v40 =	vld [tilespmem:s21+$0xFFFFFD10]  }
0x2ba: {  	v41 =	vld [tilespmem:s21+$0xFFFFFD20]  }
0x2bb: {  	v42 =	vld [tilespmem:s21+$0xFFFFFD30]  }
0x2bc: {  	v43 =	vld [tilespmem:s21+$0xFFFFFD40]  }
0x2bd: {  	v45 =	vld [tilespmem:s21+$0xFFFFFD50]  }
0x2be: {  	v46 =	vld [tilespmem:s21+$0xFFFFFD60]  }
0x2bf: {  	s5 =	sadd.s32 s17, s28;
	v47 =	vld [tilespmem:s21+$0xFFFFFD70]  }
0x2c0: {  	v21 =	vmov s5;
	v48 =	vld [tilespmem:s21+$0xFFFFFD80]  }
0x2c1: {  	v49 =	vld [tilespmem:s21+$0xFFFFFD90]  }
0x2c2: {  	v50 =	vld [tilespmem:s21+$0xFFFFFDA0]  }
0x2c3: {  	s13 =	sadd.s32 $0x1, s5;
	v51 =	vld [tilespmem:s21+$0xFFFFFDB0]  }
0x2c4: {  	v26 =	vmov s13;
	v52 =	vld [tilespmem:s21+$0xFFFFFDC0]  }
0x2c5: {  	v21 =	vld.idx.msk [tilespmem:v21+s11+$0x0], $0xffff  }
0x2c6: {  	s15 =	sadd.s32 $0x2, s5;
	v54 =	vld [tilespmem:s21+$0xFFFFFDD0]  }
0x2c7: {  	s31 =	sadd.s32 $0x3, s5;
	v35 =	vmov s15;
	v55 =	vld [tilespmem:s21+$0xFFFFFDE0]  }
0x2c8: {  	s7 =	sadd.s32 $0x4, s5;
	v44 =	vmov s31;
	v56 =	vld [tilespmem:s21+$0xFFFFFDF0]  }
0x2c9: {  	v53 =	vmov s7;
	v26 =	vld.idx.msk [tilespmem:v26+s11+$0x0], $0xffff  }
0x2ca: {  	v58 =	vld [tilespmem:s21+$0xFFFFFEE0];
	v22 =	vmul.f32 v22, v21  }
0x2cb: {  	v59 =	vld [tilespmem:s21+$0xFFFFFEF0]  }
0x2cc: {  	s13 =	sadd.s32 $0x5, s5;
	v35 =	vld.idx.msk [tilespmem:v35+s11+$0x0], $0xffff;
	v23 =	vmul.f32 v23, v21;
	v20 =	vadd.f32 v22, v20;
	v22 =	vmul.f32 v24, v21  }
0x2cd: {  	v62 =	vmov s13;
	v44 =	vld.idx.msk [tilespmem:v44+s11+$0x0], $0xffff;
	v60 =	vmul.f32 v27, v21;
	v61 =	vmul.f32 v29, v21  }
0x2ce: {  	v27 =	vld.idx.msk [tilespmem:v53+s11+$0x0], $0xffff;
	v63 =	vmul.f32 v34, v26;
	v18 =	vadd.f32 v22, v18;
	v22 =	vmul.f32 v28, v21  }
0x2cf: {  	v29 =	vld [tilespmem:s21+$0xFFFFFE10];
	v19 =	vadd.f32 v23, v19;
	v23 =	vmul.f32 v25, v21;
	v21 =	vmul.f32 v30, v21  }
0x2d0: {  	v53 =	vld [tilespmem:s21+$0xFFFFFED0];
	v37 =	vmul.f32 v37, v26;
	v14 =	vadd.f32 v22, v14;
	v22 =	vmul.f32 v31, v26  }
0x2d1: {  	v34 =	vld [tilespmem:s21+$0xFFFFFE60];
	v41 =	vmul.f32 v41, v35;
	v13 =	vadd.f32 v21, v13;
	v21 =	vmul.f32 v32, v26  }
0x2d2: {  	v57 =	vmul.f32 v51, v44;
	v51 =	vld [tilespmem:s21+$0xFFFFFF80];
	v20 =	vadd.f32 v22, v20;
	v22 =	vmul.f32 v33, v26  }
0x2d3: {  	v24 =	vld [tilespmem:s21+$0xFFFFFE00];
	v17 =	vadd.f32 v60, v17;
	v19 =	vadd.f32 v21, v19;
	v21 =	vmul.f32 v36, v26  }
0x2d4: {  	v15 =	vadd.f32 v61, v15;
	v25 =	vld [tilespmem:s21+$0xFFFFFE30];
	v18 =	vadd.f32 v22, v18;
	v22 =	vmul.f32 v38, v26  }
0x2d5: {  	v43 =	vmul.f32 v43, v35;
	v60 =	vld [tilespmem:s21+$0xFFFFFF00];
	v17 =	vadd.f32 v21, v17;
	v21 =	vmul.f32 v39, v26  }
0x2d6: {  	v61 =	vmul.f32 v56, v44;
	v56 =	vld [tilespmem:s21+$0xFFFFFFB0];
	v15 =	vadd.f32 v22, v15;
	v22 =	vmul.f32 v40, v35  }
0x2d7: {  	v16 =	vadd.f32 v23, v16;
	v23 =	vld [tilespmem:s21+$0xFFFFFE20];
	v13 =	vadd.f32 v21, v13;
	v21 =	vmul.f32 v42, v35  }
0x2d8: {  	v49 =	vmul.f32 v49, v44;
	v28 =	vld [tilespmem:s21+$0xFFFFFE40];
	v20 =	vadd.f32 v22, v20;
	v22 =	vmul.f32 v45, v35  }
0x2d9: {  	v30 =	vld.idx.msk [tilespmem:v62+s11+$0x0], $0xffff;
	v14 =	vadd.f32 v37, v14;
	v18 =	vadd.f32 v21, v18;
	v21 =	vmul.f32 v46, v35  }
0x2da: {  	v62 =	vmul.f32 v29, v27;
	v32 =	vld [tilespmem:s21+$0xFFFFFE50];
	v17 =	vadd.f32 v22, v17;
	v22 =	vmul.f32 v47, v35  }
0x2db: {  	v16 =	vadd.f32 v63, v16;
	v26 =	vld [tilespmem:s21+$0xFFFFFE80];
	v14 =	vadd.f32 v21, v14;
	v21 =	vmul.f32 v48, v35  }
0x2dc: {  	v31 =	vld [tilespmem:s21+$0xFFFFFE70];
	v19 =	vadd.f32 v41, v19;
	v15 =	vadd.f32 v22, v15;
	v22 =	vmul.f32 v50, v44  }
0x2dd: {  	s15 =	sadd.s32 $0x6, s5;
	s5 =	sadd.s32 $0x7, s5;
	v63 =	vld [tilespmem:s21+$0xFFFFFF10];
	v16 =	vadd.f32 v43, v16;
	v13 =	vadd.f32 v21, v13;
	v21 =	vmul.f32 v52, v44  }
0x2de: {  	v37 =	vld [tilespmem:s21+$0xFFFFFE90];
	v46 =	vmov s5;
	v19 =	vadd.f32 v22, v19;
	v22 =	vmul.f32 v54, v44  }
0x2df: {  	v33 =	vld [tilespmem:s21+$0xFFFFFEA0];
	v47 =	vmov s15;
	v16 =	vadd.f32 v21, v16;
	v21 =	vmul.f32 v55, v44  }
0x2e0: {  	v36 =	vld [tilespmem:s21+$0xFFFFFEB0];
	v26 =	vmul.f32 v26, v27;
	v17 =	vadd.f32 v22, v17;
	v22 =	vmul.f32 v24, v44  }
0x2e1: {  	v38 =	vld [tilespmem:s21+$0xFFFFFEC0];
	v20 =	vadd.f32 v49, v20;
	v14 =	vadd.f32 v21, v14;
	v21 =	vmul.f32 v23, v27  }
0x2e2: {  	v45 =	vld [tilespmem:s21+$0xFFFFFF40];
	v18 =	vadd.f32 v57, v18;
	v13 =	vadd.f32 v22, v13;
	v22 =	vmul.f32 v25, v27  }
0x2e3: {  	v48 =	vld [tilespmem:s21+$0xFFFFFF50];
	v20 =	vadd.f32 v62, v20;
	v19 =	vadd.f32 v21, v19;
	v21 =	vmul.f32 v28, v27  }
0x2e4: {  	v15 =	vadd.f32 v61, v15;
	v39 =	vld.idx.msk [tilespmem:v47+s11+$0x0], $0xffff;
	v18 =	vadd.f32 v22, v18;
	v22 =	vmul.f32 v32, v27  }
0x2e5: {  	v47 =	vmul.f32 v34, v27;
	v23 =	vld [tilespmem:s21+$0xFFFFFF20];
	v16 =	vadd.f32 v21, v16;
	v21 =	vmul.f32 v31, v27  }
0x2e6: {  	v49 =	vld [tilespmem:s21+$0xFFFFFF60];
	v52 =	vmul.f32 v38, v30;
	v17 =	vadd.f32 v22, v17;
	v22 =	vmul.f32 v37, v30  }
0x2e7: {  	v57 =	vld [tilespmem:s21+$0xFFFFFFC0];
	v14 =	vadd.f32 v47, v14;
	v15 =	vadd.f32 v21, v15;
	v21 =	vmul.f32 v33, v30  }
0x2e8: {  	v44 =	vld [tilespmem:s21+$0xFFFFFF30];
	v13 =	vadd.f32 v26, v13;
	v20 =	vadd.f32 v22, v20;
	v22 =	vmul.f32 v36, v30  }
0x2e9: {  	v50 =	vld [tilespmem:s21+$0xFFFFFF70];
	v26 =	vmul.f32 v51, v39;
	v19 =	vadd.f32 v21, v19;
	v21 =	vmul.f32 v53, v30  }
0x2ea: {  	v55 =	vld [tilespmem:s21+$0xFFFFFFA0];
	v23 =	vmul.f32 v23, v39;
	v18 =	vadd.f32 v22, v18;
	v22 =	vmul.f32 v59, v30  }
0x2eb: {  	v28 =	vld.idx.msk [tilespmem:v46+s11+$0x0], $0xffff;
	v16 =	vadd.f32 v52, v16;
	v17 =	vadd.f32 v21, v17;
	v21 =	vmul.f32 v60, v30  }
0x2ec: {  	v54 =	vld [tilespmem:s21+$0xFFFFFF90];
	v53 =	vmul.f32 v58, v30;
	v15 =	vadd.f32 v22, v15;
	v22 =	vmul.f32 v63, v39  }
0x2ed: {  	v61 =	vld [tilespmem:s21+$0x0];
	v58 =	vmul.f32 v45, v39;
	v13 =	vadd.f32 v21, v13;
	v21 =	vmul.f32 v44, v39  }
0x2ee: {  	v14 =	vadd.f32 v53, v14;
	v59 =	vld [tilespmem:s21+$0xFFFFFFD0];
	v20 =	vadd.f32 v22, v20;
	v22 =	vmul.f32 v48, v39  }
0x2ef: {  	v19 =	vadd.f32 v23, v19;
	v23 =	vld [tilespmem:s21+$0xFFFFFFE0];
	v18 =	vadd.f32 v21, v18;
	v21 =	vmul.f32 v49, v39  }
0x2f0: {  	s17 =	sadd.s32 $0x8, s17;
	v62 =	vmul.f32 v55, v28;
	v60 =	vld [tilespmem:s21+$0xFFFFFFF0];
	v17 =	vadd.f32 v22, v17;
	v22 =	vmul.f32 v50, v39  }
0x2f1: {  	s31 =	sadd.s32 s17, s28;
	v16 =	vadd.f32 v58, v16;
	v14 =	vadd.f32 v21, v14;
	v21 =	vmul.f32 v54, v28  }
0x2f2: {  	p1 =	slt.s32 s31, s2;
	v19 =	vadd.f32 v62, v19;
	v15 =	vadd.f32 v22, v15;
	v22 =	vmul.f32 v56, v28  }
.Ltmp41:
0x2f3: {  	v63 =	vmul.f32 v61, v28;
	v20 =	vadd.f32 v21, v20;
	v21 =	vmul.f32 v57, v28;
	(pc) =	sbr.rel @p1 .LBB2_58-.Ltmp41, $4  }
0x2f4: {  	v13 =	vadd.f32 v26, v13;
	v23 =	vmul.f32 v23, v28;
	v18 =	vadd.f32 v22, v18  }
0x2f5: {  	v22 =	vmul.f32 v59, v28;
	v16 =	vadd.f32 v21, v16;
	v21 =	vmul.f32 v60, v28  }
0x2f6: {  	v13 =	vadd.f32 v63, v13;
	v14 =	vadd.f32 v23, v14  }
0x2f7: {  	s9 =	sadd.s32 $0x400, s9;
	v17 =	vadd.f32 v22, v17;
	v15 =	vadd.f32 v21, v15  }
.LBB2_44:
0x2f8: {  	p1 =	sge.s32 s2, s29  }
.Ltmp42:
0x2f9: {  	_ = 	snop;
	(pc) =	sbr.rel @p1 .LBB2_47-.Ltmp42, $1  }
0x2fa: {  	_ =	sdelay $0x3  }
0x2fb: {  	s0 =	ssub.s32 s26, s0;
	s5 =	sadd.s32 s23, s24  }
0x2fc: {  	s5 =	ssub.s32 s5, s0  }
0x2fd: {  	s5 =	ssub.s32 s5, s25  }
0x2fe: {  	s5 =	sshll.u32 s5, $0x9  }
0x2ff: {  	s5 =	sshra.s32 s5, $0x2  }
0x300: {  	s5 =	sadd.s32 $0x1C0, s5  }
.LBB2_46:
0x301: {  	v21 =	vmov s2  }
0x302: {  	v22 =	vld [tilespmem:s5+$0xFFFFFFC0]  }
0x303: {  	v23 =	vld [tilespmem:s5+$0xFFFFFFD0]  }
0x304: {  	v24 =	vld [tilespmem:s5+$0xFFFFFFE0]  }
0x305: {  	v25 =	vld [tilespmem:s5+$0xFFFFFFF0]  }
0x306: {  	v21 =	vld.idx.msk [tilespmem:v21+s11+$0x0], $0xffff  }
0x307: {  	v26 =	vld [tilespmem:s5+$0x0]  }
0x308: {  	v27 =	vld [tilespmem:s5+$0x10]  }
0x309: {  	v28 =	vld [tilespmem:s5+$0x20]  }
0x30a: {  	v29 =	vld [tilespmem:s5+$0x30]  }
0x30b: {  	v22 =	vmul.f32 v22, v21  }
0x30c: {  	p1 =	sne.s32 s0, $0x1;
	v23 =	vmul.f32 v23, v21;
	v24 =	vmul.f32 v24, v21  }
.Ltmp43:
0x30d: {  	v63 =	vmul.f32 v27, v21;
	v20 =	vadd.f32 v22, v20;
	v22 =	vmul.f32 v25, v21;
	(pc) =	sbr.rel @p1 .LBB2_46-.Ltmp43, $4  }
0x30e: {  	v19 =	vadd.f32 v23, v19;
	v18 =	vadd.f32 v24, v18;
	v23 =	vmul.f32 v26, v21  }
0x30f: {  	v16 =	vadd.f32 v22, v16;
	v22 =	vmul.f32 v28, v21;
	v21 =	vmul.f32 v29, v21  }
0x310: {  	v14 =	vadd.f32 v63, v14;
	v17 =	vadd.f32 v23, v17  }
0x311: {  	s2 =	sadd.s32 $0x1, s2;
	s5 =	sadd.s32 $0x80, s5;
	s0 =	sadd.s32 $0xFFFFFFFF, s0;
	v15 =	vadd.f32 v22, v15;
	v13 =	vadd.f32 v21, v13  }
.Ltmp44:
0x312: {  	_ = 	snop;
	(pc) =	sbr.rel .LBB2_47-.Ltmp44, $1  }
0x313: {  	_ =	sdelay $0x3  }
.LBB2_30:
.Ltmp45:
0x314: {  	(pc) =	sbr.rel .LBB2_57-.Ltmp45, $2  }
0x315: {  	_ =	sdelay $0x2  }
0x316: {  	_ = 	snop  }
.LBB2_52:
.Ltmp46:
0x317: {  	(pc) =	sbr.rel .LBB2_57-.Ltmp46, $2  }
0x318: {  	_ =	sdelay $0x2  }
0x319: {  	s13 =	smov.u32 s5;
	s5 =	smov.u32 s6  }
.LBB2_54:
.Ltmp47:
0x31a: {  	(pc) =	sbr.rel .LBB2_57-.Ltmp47, $2  }
0x31b: {  	_ =	sdelay $0x2  }
0x31c: {  	s7 =	smov.u32 s5;
	s13 =	smov.u32 s6;
	s5 =	smov.u32 s21  }
.LBB2_50:
0x31d: {  	_ =	sfence.sel $0x180000  }
0x31e: {  	[bflag:$0x0] =	sbarrier.arrive $0xFFFF  }
0x31f: {  	_ =	strace $0x90000047  }
0x320: {  	s0 =	stileid.u32;
	[bflag:$0x2] =	sbarrier.arrive $0xFFFF  }
0x321: {  	p0 =	sne.s32 s0, $0x0;
	s0 =	rddreg [dreg:$0x3]  }
0x322: {  	s0 =	sadd.s32 @!p0 $0x100000, s0  }
0x323: {  	[sflag:s0] =	ssyncadd.tile.s32 @!p0 $0x1;
	_ =	shalt  }
.Lfunc_end2:
_tile_overlayer_lowered:
.L_overlay_start_2:
0x324: {  	(tag) =	ssettag $0x2  }
0x325: {  	s0 =	rddreg [dreg:$0x0];
	s2 =	stileid.u32  }
0x326: {  	s1 =	rddreg [dreg:$0x1];
	p0 =	sne.s32 s2, $0x0  }
0x327: {  	s3 =	rddreg [dreg:$0x2];
	[bflag:$0x3] =	sbarrier.arrive $0xFFFF;
	s2 =	simm.s32 @!p0 $0x1C01  }
0x328: {  	[timem:s3], [sflag:s2] =	dma.local @!p0 [hbm:s0], s1  }
0x329: {  	s0 =	simm.s32 @!p0 $0x1  }
0x32a: {  	_ =	swait.ge @!p0 [sflag:s0], s1  }
0x32b: {  	s1 =	ssub.s32 @!p0 $0x0, s1;
	[sflag:s0] =	ssyncset.done @!p0 $0x0  }
0x32c: {  	[sflag:s0] =	ssyncadd.s32 @!p0 s1  }
0x32d: {  	[bflag:$0x3] =	sbarrier.arrive $0xFFFF  }
0x32e: {  	_ =	shalt  }

</sc_bundles>
